<compile_context>
chip_gen: v7x
topology: tpu7x:2x2x1
jax: 0.10.2.dev20260603
libtpu: 0.0.44.dev20260713+nightly
codegen_flags: <defaults>
</compile_context>

<pallas_src>
import functools

import jax
import jax.numpy as jnp
from jax import lax
from jax.experimental import pallas as pl
from jax.experimental.pallas import tpu as pltpu
from jax.experimental.pallas import tpu_sc as plsc

NUM_OBS = 1000
NUM_ACT = 100
D = 32
B = 4096

NC = 2
NS = 16
L = 16
NW = NC * NS
B_PER_W = B // NW


_sc_mesh = plsc.VectorSubcoreMesh(
    core_axis_name="c", subcore_axis_name="s", num_cores=NC, num_subcores=NS
)


@functools.partial(
    pl.kernel,
    out_type=(
        jax.ShapeDtypeStruct((B, D), jnp.float32),
        jax.ShapeDtypeStruct((B, D), jnp.float32),
    ),
    mesh=_sc_mesh,
    compiler_params=pltpu.CompilerParams(needs_layout_passes=False),
    scratch_types=[
        pltpu.VMEM((B_PER_W,), jnp.int32),
        pltpu.VMEM((B_PER_W,), jnp.int32),
        pltpu.VMEM((B_PER_W,), jnp.int32),
        pltpu.VMEM((B_PER_W,), jnp.int32),
        pltpu.VMEM((B_PER_W, D), jnp.float32),
        pltpu.VMEM((B_PER_W, D), jnp.float32),
        pltpu.SemaphoreType.DMA,
        pltpu.SemaphoreType.DMA,
    ],
)
def _sc_gather(obs_hbm, act_hbm, fobs_hbm, fact_hbm, wf_hbm, wb_hbm,
               fwd_hbm, bwd_hbm,
               idxf_v, idxb_v, actf_v, actb_v, rows_f, rows_b, semf, semb):
    wid = lax.axis_index("s") * NC + lax.axis_index("c")
    base = wid * B_PER_W
    sl = pl.ds(base, B_PER_W)
    pltpu.sync_copy(obs_hbm.at[sl], idxf_v)
    pltpu.sync_copy(act_hbm.at[sl], actf_v)
    pltpu.sync_copy(fobs_hbm.at[sl], idxb_v)
    pltpu.sync_copy(fact_hbm.at[sl], actb_v)
    for i in range(B_PER_W // L):
        v = pl.ds(i * L, L)
        idxf_v[v] = (jnp.clip(idxf_v[v], 0, NUM_OBS - 1) * NUM_ACT
                     + jnp.clip(actf_v[v], 0, NUM_ACT - 1))
        idxb_v[v] = (jnp.clip(idxb_v[v], 0, NUM_OBS - 1) * NUM_ACT
                     + jnp.clip(actb_v[v], 0, NUM_ACT - 1))
    lane = jax.lax.iota(jnp.int32, L)

    def fire(j, carry):
        c = (j // L) * L
        k = j - c
        chf = idxf_v[pl.ds(c, L)]
        chb = idxb_v[pl.ds(c, L)]
        rf = jnp.sum(jnp.where(lane == k, chf, 0))
        rb = jnp.sum(jnp.where(lane == k, chb, 0))
        pltpu.async_copy(wf_hbm.at[pl.ds(rf, 1)], rows_f.at[pl.ds(j, 1)], semf)
        pltpu.async_copy(wb_hbm.at[pl.ds(rb, 1)], rows_b.at[pl.ds(j, 1)], semb)
        return carry

    lax.fori_loop(0, B_PER_W, fire, 0)
    pltpu.make_async_copy(wf_hbm.at[pl.ds(0, B_PER_W)], rows_f, semf).wait()
    pltpu.make_async_copy(wb_hbm.at[pl.ds(0, B_PER_W)], rows_b, semb).wait()
    pltpu.sync_copy(rows_f, fwd_hbm.at[sl])
    pltpu.sync_copy(rows_b, bwd_hbm.at[sl])


def _mm_body(a_ref, b_ref, o_ref):
    o_ref[...] = lax.dot_general(
        a_ref[...], b_ref[...],
        (((1,), (1,)), ((), ())),
        preferred_element_type=jnp.float32,
    )


_ROWS_PER_STEP = 512


def _matmul(fwd, bwd):
    return pl.pallas_call(
        _mm_body,
        grid=(B // _ROWS_PER_STEP,),
        in_specs=[
            pl.BlockSpec((_ROWS_PER_STEP, D), lambda i: (i, 0)),
            pl.BlockSpec((B, D), lambda i: (0, 0)),
        ],
        out_specs=pl.BlockSpec((_ROWS_PER_STEP, B), lambda i: (i, 0)),
        out_shape=jax.ShapeDtypeStruct((B, B), jnp.float32),
    )(fwd, bwd)


def kernel(observations, actions, future_observations, future_actions,
           W_forward, W_backward):
    obs = observations.astype(jnp.int32)
    act = actions.astype(jnp.int32)
    fobs = future_observations.astype(jnp.int32)
    fact = future_actions.astype(jnp.int32)
    fwd, bwd = _sc_gather(obs, act, fobs, fact, W_forward, W_backward)
    return _matmul(fwd, bwd)

# --- scband reference (transcript-rebuilt; emitter-appended) ---
"""Pipeline reference for scband-fbcritic-50319836840675 (READ-ONLY COPY).

The authoritative reference and input builder live on the scoring server;
editing this copy changes nothing except your own understanding.
"""

import jax, jax.numpy as jnp
import numpy as np

NUM_OBSERVATIONS = 1000
NUM_ACTIONS = 100
REPR_DIM = 32
BATCH = 4096


def setup_inputs(seed: int = 0) -> dict:
    key = jax.random.key(seed)
    k1, k2, k3, k4, k5, k6 = jax.random.split(key, 6)
    vocab = NUM_OBSERVATIONS * NUM_ACTIONS
    observations = jax.random.randint(k1, (BATCH,), 0, NUM_OBSERVATIONS, dtype=jnp.int64 if jax.config.jax_enable_x64 else jnp.int32)
    actions = jax.random.randint(k2, (BATCH,), 0, NUM_ACTIONS, dtype=jnp.int64 if jax.config.jax_enable_x64 else jnp.int32)
    future_observations = jax.random.randint(k3, (BATCH,), 0, NUM_OBSERVATIONS, dtype=jnp.int64 if jax.config.jax_enable_x64 else jnp.int32)
    future_actions = jax.random.randint(k4, (BATCH,), 0, NUM_ACTIONS, dtype=jnp.int64 if jax.config.jax_enable_x64 else jnp.int32)
    # Dense(use_bias=False) kernels: shape (in_features=vocab, out_features=repr_dim), lecun_normal-ish init
    scale = 1.0 / np.sqrt(vocab)
    W_forward = jax.random.normal(k5, (vocab, REPR_DIM), dtype=jnp.float32) * scale
    W_backward = jax.random.normal(k6, (vocab, REPR_DIM), dtype=jnp.float32) * scale
    return {
        "observations": observations,
        "actions": actions,
        "future_observations": future_observations,
        "future_actions": future_actions,
        "W_forward": W_forward,
        "W_backward": W_backward,
    }


def reference(observations, actions, future_observations, future_actions, W_forward, W_backward):
    dims = (NUM_OBSERVATIONS, NUM_ACTIONS)
    # ravel_multi_index with mode='clip', as in the original module
    fwd_idx = jnp.ravel_multi_index(
        (observations, actions), dims, mode='clip')
    bwd_idx = jnp.ravel_multi_index(
        (future_observations, future_actions), dims, mode='clip')
    # one_hot(idx, vocab) @ W  ==  W[idx]  (exact same math; Dense has no bias)
    forward_reprs = jnp.take(W_forward, fwd_idx, axis=0)
    backward_reprs = jnp.take(W_backward, bwd_idx, axis=0)
    # normalized_backward_reprs=False, log_linear=False
    prob_ratios = jnp.einsum('ik,jk->ij', forward_reprs, backward_reprs)
    return prob_ratios

if __name__ == "__main__":
    import jax
    _d = setup_inputs()
    print(jax.jit(kernel)(*tuple(_d.values())))

</pallas_src>

<mosaic_0001>
#map = affine_map<(d0, d1) -> (0)>
#map1 = affine_map<(d0, d1) -> (0, 0)>
module attributes {stable_mosaic.version = 14 : i64} {
  func.func @_sc_gather(%arg0: i32, %arg1: i32, %arg2: memref<4096xi32, #tpu.memory_space<hbm>>, %arg3: memref<4096xi32, #tpu.memory_space<hbm>>, %arg4: memref<4096xi32, #tpu.memory_space<hbm>>, %arg5: memref<4096xi32, #tpu.memory_space<hbm>>, %arg6: memref<100000x32xf32, #tpu.memory_space<hbm>>, %arg7: memref<100000x32xf32, #tpu.memory_space<hbm>>, %arg8: memref<4096x32xf32, #tpu.memory_space<hbm>>, %arg9: memref<4096x32xf32, #tpu.memory_space<hbm>>, %arg10: memref<128xi32, #tpu.memory_space<vmem>>, %arg11: memref<128xi32, #tpu.memory_space<vmem>>, %arg12: memref<128xi32, #tpu.memory_space<vmem>>, %arg13: memref<128xi32, #tpu.memory_space<vmem>>, %arg14: memref<128x32xf32, #tpu.memory_space<vmem>>, %arg15: memref<128x32xf32, #tpu.memory_space<vmem>>, %arg16: memref<!tpu.dma_semaphore, #tpu.memory_space<semaphore_mem>>, %arg17: memref<!tpu.dma_semaphore, #tpu.memory_space<semaphore_mem>>) attributes {dimension_semantics = [#tpu.dimension_semantics<core_parallel>, #tpu.dimension_semantics<subcore_parallel>], iteration_bounds = array<i64: 2, 16>, scalar_prefetch = 0 : i64, scratch_operands = 8 : i64, tpu.core_type = #tpu.core_type<sc_vector_subcore>, window_params = [{transform_indices = #map}, {transform_indices = #map}, {transform_indices = #map}, {transform_indices = #map}, {transform_indices = #map1}, {transform_indices = #map1}, {transform_indices = #map1}, {transform_indices = #map1}]} {
    %mul3A = arith.constant 2 : i32
    %mul3A_0 = arith.muli %arg1, %mul3A : i32
    %add3A = arith.addi %mul3A_0, %arg0 : i32
    %mul3A_1 = arith.constant 128 : i32
    %mul3A_2 = arith.muli %add3A, %mul3A_1 : i32
    "tpu.region"() ({
      %run_scoped3A = tpu.sem_alloc : memref<!tpu.dma_semaphore, #tpu.memory_space<semaphore_mem>>
      %dma_start3A = tpu.memref_slice %arg2[%mul3A_2] : memref<4096xi32, #tpu.memory_space<hbm>> -> memref<128xi32, #tpu.memory_space<hbm>>
      %dma_start3A_366 = tpu.memref_slice %arg2[%mul3A_2] : memref<4096xi32, #tpu.memory_space<hbm>> -> memref<128xi32, #tpu.memory_space<hbm>>
      tpu.enqueue_dma source(%dma_start3A_366 : memref<128xi32, #tpu.memory_space<hbm>>) target(%arg10 : memref<128xi32, #tpu.memory_space<vmem>>) target_semaphore(%run_scoped3A : memref<!tpu.dma_semaphore, #tpu.memory_space<semaphore_mem>>)
      %dma_wait3A_367 = tpu.memref_slice %arg2[%mul3A_2] : memref<4096xi32, #tpu.memory_space<hbm>> -> memref<128xi32, #tpu.memory_space<hbm>>
      %dma_wait3A_368 = tpu.memref_slice %arg2[%mul3A_2] : memref<4096xi32, #tpu.memory_space<hbm>> -> memref<128xi32, #tpu.memory_space<hbm>>
      tpu.wait_dma2 semaphore(%run_scoped3A : memref<!tpu.dma_semaphore, #tpu.memory_space<semaphore_mem>>) src(%dma_wait3A_368 : memref<128xi32, #tpu.memory_space<hbm>>) dst(%arg10 : memref<128xi32, #tpu.memory_space<vmem>>)
      tpu.yield
    }) : () -> ()
    "tpu.region"() ({
      %run_scoped3A = tpu.sem_alloc : memref<!tpu.dma_semaphore, #tpu.memory_space<semaphore_mem>>
      %dma_start3A = tpu.memref_slice %arg3[%mul3A_2] : memref<4096xi32, #tpu.memory_space<hbm>> -> memref<128xi32, #tpu.memory_space<hbm>>
      %dma_start3A_366 = tpu.memref_slice %arg3[%mul3A_2] : memref<4096xi32, #tpu.memory_space<hbm>> -> memref<128xi32, #tpu.memory_space<hbm>>
      tpu.enqueue_dma source(%dma_start3A_366 : memref<128xi32, #tpu.memory_space<hbm>>) target(%arg12 : memref<128xi32, #tpu.memory_space<vmem>>) target_semaphore(%run_scoped3A : memref<!tpu.dma_semaphore, #tpu.memory_space<semaphore_mem>>)
      %dma_wait3A_367 = tpu.memref_slice %arg3[%mul3A_2] : memref<4096xi32, #tpu.memory_space<hbm>> -> memref<128xi32, #tpu.memory_space<hbm>>
      %dma_wait3A_368 = tpu.memref_slice %arg3[%mul3A_2] : memref<4096xi32, #tpu.memory_space<hbm>> -> memref<128xi32, #tpu.memory_space<hbm>>
      tpu.wait_dma2 semaphore(%run_scoped3A : memref<!tpu.dma_semaphore, #tpu.memory_space<semaphore_mem>>) src(%dma_wait3A_368 : memref<128xi32, #tpu.memory_space<hbm>>) dst(%arg12 : memref<128xi32, #tpu.memory_space<vmem>>)
      tpu.yield
    }) : () -> ()
    "tpu.region"() ({
      %run_scoped3A = tpu.sem_alloc : memref<!tpu.dma_semaphore, #tpu.memory_space<semaphore_mem>>
      %dma_start3A = tpu.memref_slice %arg4[%mul3A_2] : memref<4096xi32, #tpu.memory_space<hbm>> -> memref<128xi32, #tpu.memory_space<hbm>>
      %dma_start3A_366 = tpu.memref_slice %arg4[%mul3A_2] : memref<4096xi32, #tpu.memory_space<hbm>> -> memref<128xi32, #tpu.memory_space<hbm>>
      tpu.enqueue_dma source(%dma_start3A_366 : memref<128xi32, #tpu.memory_space<hbm>>) target(%arg11 : memref<128xi32, #tpu.memory_space<vmem>>) target_semaphore(%run_scoped3A : memref<!tpu.dma_semaphore, #tpu.memory_space<semaphore_mem>>)
      %dma_wait3A_367 = tpu.memref_slice %arg4[%mul3A_2] : memref<4096xi32, #tpu.memory_space<hbm>> -> memref<128xi32, #tpu.memory_space<hbm>>
      %dma_wait3A_368 = tpu.memref_slice %arg4[%mul3A_2] : memref<4096xi32, #tpu.memory_space<hbm>> -> memref<128xi32, #tpu.memory_space<hbm>>
      tpu.wait_dma2 semaphore(%run_scoped3A : memref<!tpu.dma_semaphore, #tpu.memory_space<semaphore_mem>>) src(%dma_wait3A_368 : memref<128xi32, #tpu.memory_space<hbm>>) dst(%arg11 : memref<128xi32, #tpu.memory_space<vmem>>)
      tpu.yield
    }) : () -> ()
    "tpu.region"() ({
      %run_scoped3A = tpu.sem_alloc : memref<!tpu.dma_semaphore, #tpu.memory_space<semaphore_mem>>
      %dma_start3A = tpu.memref_slice %arg5[%mul3A_2] : memref<4096xi32, #tpu.memory_space<hbm>> -> memref<128xi32, #tpu.memory_space<hbm>>
      %dma_start3A_366 = tpu.memref_slice %arg5[%mul3A_2] : memref<4096xi32, #tpu.memory_space<hbm>> -> memref<128xi32, #tpu.memory_space<hbm>>
      tpu.enqueue_dma source(%dma_start3A_366 : memref<128xi32, #tpu.memory_space<hbm>>) target(%arg13 : memref<128xi32, #tpu.memory_space<vmem>>) target_semaphore(%run_scoped3A : memref<!tpu.dma_semaphore, #tpu.memory_space<semaphore_mem>>)
      %dma_wait3A_367 = tpu.memref_slice %arg5[%mul3A_2] : memref<4096xi32, #tpu.memory_space<hbm>> -> memref<128xi32, #tpu.memory_space<hbm>>
      %dma_wait3A_368 = tpu.memref_slice %arg5[%mul3A_2] : memref<4096xi32, #tpu.memory_space<hbm>> -> memref<128xi32, #tpu.memory_space<hbm>>
      tpu.wait_dma2 semaphore(%run_scoped3A : memref<!tpu.dma_semaphore, #tpu.memory_space<semaphore_mem>>) src(%dma_wait3A_368 : memref<128xi32, #tpu.memory_space<hbm>>) dst(%arg13 : memref<128xi32, #tpu.memory_space<vmem>>)
      tpu.yield
    }) : () -> ()
    %get3A = arith.constant 0 : index
    %get3A_3 = tpu.vector_load %arg10[%get3A] {strides = array<i32>} : memref<128xi32, #tpu.memory_space<vmem>>, vector<16xi32>,
    %jit3A = arith.constant 0 : i32
    %jit3A_4 = arith.constant 999 : i32
    %max3A = vector.broadcast %jit3A : i32 to vector<16xi32>
    %max3A_5 = arith.maxsi %max3A, %get3A_3 : vector<16xi32>
    %min3A = vector.broadcast %jit3A_4 : i32 to vector<16xi32>
    %min3A_6 = arith.minsi %min3A, %max3A_5 : vector<16xi32>
    %mul3A_7 = arith.constant 100 : i32
    %mul3A_8 = vector.broadcast %mul3A_7 : i32 to vector<16xi32>
    %mul3A_9 = arith.muli %min3A_6, %mul3A_8 : vector<16xi32>
    %get3A_10 = arith.constant 0 : index
    %get3A_11 = tpu.vector_load %arg12[%get3A_10] {strides = array<i32>} : memref<128xi32, #tpu.memory_space<vmem>>, vector<16xi32>,
    %jit3A_12 = arith.constant 0 : i32
    %jit3A_13 = arith.constant 99 : i32
    %max3A_14 = vector.broadcast %jit3A_12 : i32 to vector<16xi32>
    %max3A_15 = arith.maxsi %max3A_14, %get3A_11 : vector<16xi32>
    %min3A_16 = vector.broadcast %jit3A_13 : i32 to vector<16xi32>
    %min3A_17 = arith.minsi %min3A_16, %max3A_15 : vector<16xi32>
    %add3A_18 = arith.addi %mul3A_9, %min3A_17 : vector<16xi32>
    %swap3A = arith.constant 0 : index
    %swap3A_19 = tpu.vector_load %arg10[%swap3A] {strides = array<i32>} : memref<128xi32, #tpu.memory_space<vmem>>, vector<16xi32>,
    tpu.vector_store %arg10[%swap3A], %add3A_18 {strides = array<i32>} : memref<128xi32, #tpu.memory_space<vmem>>, vector<16xi32>,
    %get3A_20 = arith.constant 0 : index
    %get3A_21 = tpu.vector_load %arg11[%get3A_20] {strides = array<i32>} : memref<128xi32, #tpu.memory_space<vmem>>, vector<16xi32>,
    %jit3A_22 = arith.constant 0 : i32
    %jit3A_23 = arith.constant 999 : i32
    %max3A_24 = vector.broadcast %jit3A_22 : i32 to vector<16xi32>
    %max3A_25 = arith.maxsi %max3A_24, %get3A_21 : vector<16xi32>
    %min3A_26 = vector.broadcast %jit3A_23 : i32 to vector<16xi32>
    %min3A_27 = arith.minsi %min3A_26, %max3A_25 : vector<16xi32>
    %mul3A_28 = arith.constant 100 : i32
    %mul3A_29 = vector.broadcast %mul3A_28 : i32 to vector<16xi32>
    %mul3A_30 = arith.muli %min3A_27, %mul3A_29 : vector<16xi32>
    %get3A_31 = arith.constant 0 : index
    %get3A_32 = tpu.vector_load %arg13[%get3A_31] {strides = array<i32>} : memref<128xi32, #tpu.memory_space<vmem>>, vector<16xi32>,
    %jit3A_33 = arith.constant 0 : i32
    %jit3A_34 = arith.constant 99 : i32
    %max3A_35 = vector.broadcast %jit3A_33 : i32 to vector<16xi32>
    %max3A_36 = arith.maxsi %max3A_35, %get3A_32 : vector<16xi32>
    %min3A_37 = vector.broadcast %jit3A_34 : i32 to vector<16xi32>
    %min3A_38 = arith.minsi %min3A_37, %max3A_36 : vector<16xi32>
    %add3A_39 = arith.addi %mul3A_30, %min3A_38 : vector<16xi32>
    %swap3A_40 = arith.constant 0 : index
    %swap3A_41 = tpu.vector_load %arg11[%swap3A_40] {strides = array<i32>} : memref<128xi32, #tpu.memory_space<vmem>>, vector<16xi32>,
    tpu.vector_store %arg11[%swap3A_40], %add3A_39 {strides = array<i32>} : memref<128xi32, #tpu.memory_space<vmem>>, vector<16xi32>,
    %get3A_42 = arith.constant 16 : index
    %get3A_43 = tpu.vector_load %arg10[%get3A_42] {strides = array<i32>} : memref<128xi32, #tpu.memory_space<vmem>>, vector<16xi32>,
    %jit3A_44 = arith.constant 0 : i32
    %jit3A_45 = arith.constant 999 : i32
    %max3A_46 = vector.broadcast %jit3A_44 : i32 to vector<16xi32>
    %max3A_47 = arith.maxsi %max3A_46, %get3A_43 : vector<16xi32>
    %min3A_48 = vector.broadcast %jit3A_45 : i32 to vector<16xi32>
    %min3A_49 = arith.minsi %min3A_48, %max3A_47 : vector<16xi32>
    %mul3A_50 = arith.constant 100 : i32
    %mul3A_51 = vector.broadcast %mul3A_50 : i32 to vector<16xi32>
    %mul3A_52 = arith.muli %min3A_49, %mul3A_51 : vector<16xi32>
    %get3A_53 = arith.constant 16 : index
    %get3A_54 = tpu.vector_load %arg12[%get3A_53] {strides = array<i32>} : memref<128xi32, #tpu.memory_space<vmem>>, vector<16xi32>,
    %jit3A_55 = arith.constant 0 : i32
    %jit3A_56 = arith.constant 99 : i32
    %max3A_57 = vector.broadcast %jit3A_55 : i32 to vector<16xi32>
    %max3A_58 = arith.maxsi %max3A_57, %get3A_54 : vector<16xi32>
    %min3A_59 = vector.broadcast %jit3A_56 : i32 to vector<16xi32>
    %min3A_60 = arith.minsi %min3A_59, %max3A_58 : vector<16xi32>
    %add3A_61 = arith.addi %mul3A_52, %min3A_60 : vector<16xi32>
    %swap3A_62 = arith.constant 16 : index
    %swap3A_63 = tpu.vector_load %arg10[%swap3A_62] {strides = array<i32>} : memref<128xi32, #tpu.memory_space<vmem>>, vector<16xi32>,
    tpu.vector_store %arg10[%swap3A_62], %add3A_61 {strides = array<i32>} : memref<128xi32, #tpu.memory_space<vmem>>, vector<16xi32>,
    %get3A_64 = arith.constant 16 : index
    %get3A_65 = tpu.vector_load %arg11[%get3A_64] {strides = array<i32>} : memref<128xi32, #tpu.memory_space<vmem>>, vector<16xi32>,
    %jit3A_66 = arith.constant 0 : i32
    %jit3A_67 = arith.constant 999 : i32
    %max3A_68 = vector.broadcast %jit3A_66 : i32 to vector<16xi32>
    %max3A_69 = arith.maxsi %max3A_68, %get3A_65 : vector<16xi32>
    %min3A_70 = vector.broadcast %jit3A_67 : i32 to vector<16xi32>
    %min3A_71 = arith.minsi %min3A_70, %max3A_69 : vector<16xi32>
    %mul3A_72 = arith.constant 100 : i32
    %mul3A_73 = vector.broadcast %mul3A_72 : i32 to vector<16xi32>
    %mul3A_74 = arith.muli %min3A_71, %mul3A_73 : vector<16xi32>
    %get3A_75 = arith.constant 16 : index
    %get3A_76 = tpu.vector_load %arg13[%get3A_75] {strides = array<i32>} : memref<128xi32, #tpu.memory_space<vmem>>, vector<16xi32>,
    %jit3A_77 = arith.constant 0 : i32
    %jit3A_78 = arith.constant 99 : i32
    %max3A_79 = vector.broadcast %jit3A_77 : i32 to vector<16xi32>
    %max3A_80 = arith.maxsi %max3A_79, %get3A_76 : vector<16xi32>
    %min3A_81 = vector.broadcast %jit3A_78 : i32 to vector<16xi32>
    %min3A_82 = arith.minsi %min3A_81, %max3A_80 : vector<16xi32>
    %add3A_83 = arith.addi %mul3A_74, %min3A_82 : vector<16xi32>
    %swap3A_84 = arith.constant 16 : index
    %swap3A_85 = tpu.vector_load %arg11[%swap3A_84] {strides = array<i32>} : memref<128xi32, #tpu.memory_space<vmem>>, vector<16xi32>,
    tpu.vector_store %arg11[%swap3A_84], %add3A_83 {strides = array<i32>} : memref<128xi32, #tpu.memory_space<vmem>>, vector<16xi32>,
    %get3A_86 = arith.constant 32 : index
    %get3A_87 = tpu.vector_load %arg10[%get3A_86] {strides = array<i32>} : memref<128xi32, #tpu.memory_space<vmem>>, vector<16xi32>,
    %jit3A_88 = arith.constant 0 : i32
    %jit3A_89 = arith.constant 999 : i32
    %max3A_90 = vector.broadcast %jit3A_88 : i32 to vector<16xi32>
    %max3A_91 = arith.maxsi %max3A_90, %get3A_87 : vector<16xi32>
    %min3A_92 = vector.broadcast %jit3A_89 : i32 to vector<16xi32>
    %min3A_93 = arith.minsi %min3A_92, %max3A_91 : vector<16xi32>
    %mul3A_94 = arith.constant 100 : i32
    %mul3A_95 = vector.broadcast %mul3A_94 : i32 to vector<16xi32>
    %mul3A_96 = arith.muli %min3A_93, %mul3A_95 : vector<16xi32>
    %get3A_97 = arith.constant 32 : index
    %get3A_98 = tpu.vector_load %arg12[%get3A_97] {strides = array<i32>} : memref<128xi32, #tpu.memory_space<vmem>>, vector<16xi32>,
    %jit3A_99 = arith.constant 0 : i32
    %jit3A_100 = arith.constant 99 : i32
    %max3A_101 = vector.broadcast %jit3A_99 : i32 to vector<16xi32>
    %max3A_102 = arith.maxsi %max3A_101, %get3A_98 : vector<16xi32>
    %min3A_103 = vector.broadcast %jit3A_100 : i32 to vector<16xi32>
    %min3A_104 = arith.minsi %min3A_103, %max3A_102 : vector<16xi32>
    %add3A_105 = arith.addi %mul3A_96, %min3A_104 : vector<16xi32>
    %swap3A_106 = arith.constant 32 : index
    %swap3A_107 = tpu.vector_load %arg10[%swap3A_106] {strides = array<i32>} : memref<128xi32, #tpu.memory_space<vmem>>, vector<16xi32>,
    tpu.vector_store %arg10[%swap3A_106], %add3A_105 {strides = array<i32>} : memref<128xi32, #tpu.memory_space<vmem>>, vector<16xi32>,
    %get3A_108 = arith.constant 32 : index
    %get3A_109 = tpu.vector_load %arg11[%get3A_108] {strides = array<i32>} : memref<128xi32, #tpu.memory_space<vmem>>, vector<16xi32>,
    %jit3A_110 = arith.constant 0 : i32
    %jit3A_111 = arith.constant 999 : i32
    %max3A_112 = vector.broadcast %jit3A_110 : i32 to vector<16xi32>
    %max3A_113 = arith.maxsi %max3A_112, %get3A_109 : vector<16xi32>
    %min3A_114 = vector.broadcast %jit3A_111 : i32 to vector<16xi32>
    %min3A_115 = arith.minsi %min3A_114, %max3A_113 : vector<16xi32>
    %mul3A_116 = arith.constant 100 : i32
    %mul3A_117 = vector.broadcast %mul3A_116 : i32 to vector<16xi32>
    %mul3A_118 = arith.muli %min3A_115, %mul3A_117 : vector<16xi32>
    %get3A_119 = arith.constant 32 : index
    %get3A_120 = tpu.vector_load %arg13[%get3A_119] {strides = array<i32>} : memref<128xi32, #tpu.memory_space<vmem>>, vector<16xi32>,
    %jit3A_121 = arith.constant 0 : i32
    %jit3A_122 = arith.constant 99 : i32
    %max3A_123 = vector.broadcast %jit3A_121 : i32 to vector<16xi32>
    %max3A_124 = arith.maxsi %max3A_123, %get3A_120 : vector<16xi32>
    %min3A_125 = vector.broadcast %jit3A_122 : i32 to vector<16xi32>
    %min3A_126 = arith.minsi %min3A_125, %max3A_124 : vector<16xi32>
    %add3A_127 = arith.addi %mul3A_118, %min3A_126 : vector<16xi32>
    %swap3A_128 = arith.constant 32 : index
    %swap3A_129 = tpu.vector_load %arg11[%swap3A_128] {strides = array<i32>} : memref<128xi32, #tpu.memory_space<vmem>>, vector<16xi32>,
    tpu.vector_store %arg11[%swap3A_128], %add3A_127 {strides = array<i32>} : memref<128xi32, #tpu.memory_space<vmem>>, vector<16xi32>,
    %get3A_130 = arith.constant 48 : index
    %get3A_131 = tpu.vector_load %arg10[%get3A_130] {strides = array<i32>} : memref<128xi32, #tpu.memory_space<vmem>>, vector<16xi32>,
    %jit3A_132 = arith.constant 0 : i32
    %jit3A_133 = arith.constant 999 : i32
    %max3A_134 = vector.broadcast %jit3A_132 : i32 to vector<16xi32>
    %max3A_135 = arith.maxsi %max3A_134, %get3A_131 : vector<16xi32>
    %min3A_136 = vector.broadcast %jit3A_133 : i32 to vector<16xi32>
    %min3A_137 = arith.minsi %min3A_136, %max3A_135 : vector<16xi32>
    %mul3A_138 = arith.constant 100 : i32
    %mul3A_139 = vector.broadcast %mul3A_138 : i32 to vector<16xi32>
    %mul3A_140 = arith.muli %min3A_137, %mul3A_139 : vector<16xi32>
    %get3A_141 = arith.constant 48 : index
    %get3A_142 = tpu.vector_load %arg12[%get3A_141] {strides = array<i32>} : memref<128xi32, #tpu.memory_space<vmem>>, vector<16xi32>,
    %jit3A_143 = arith.constant 0 : i32
    %jit3A_144 = arith.constant 99 : i32
    %max3A_145 = vector.broadcast %jit3A_143 : i32 to vector<16xi32>
    %max3A_146 = arith.maxsi %max3A_145, %get3A_142 : vector<16xi32>
    %min3A_147 = vector.broadcast %jit3A_144 : i32 to vector<16xi32>
    %min3A_148 = arith.minsi %min3A_147, %max3A_146 : vector<16xi32>
    %add3A_149 = arith.addi %mul3A_140, %min3A_148 : vector<16xi32>
    %swap3A_150 = arith.constant 48 : index
    %swap3A_151 = tpu.vector_load %arg10[%swap3A_150] {strides = array<i32>} : memref<128xi32, #tpu.memory_space<vmem>>, vector<16xi32>,
    tpu.vector_store %arg10[%swap3A_150], %add3A_149 {strides = array<i32>} : memref<128xi32, #tpu.memory_space<vmem>>, vector<16xi32>,
    %get3A_152 = arith.constant 48 : index
    %get3A_153 = tpu.vector_load %arg11[%get3A_152] {strides = array<i32>} : memref<128xi32, #tpu.memory_space<vmem>>, vector<16xi32>,
    %jit3A_154 = arith.constant 0 : i32
    %jit3A_155 = arith.constant 999 : i32
    %max3A_156 = vector.broadcast %jit3A_154 : i32 to vector<16xi32>
    %max3A_157 = arith.maxsi %max3A_156, %get3A_153 : vector<16xi32>
    %min3A_158 = vector.broadcast %jit3A_155 : i32 to vector<16xi32>
    %min3A_159 = arith.minsi %min3A_158, %max3A_157 : vector<16xi32>
    %mul3A_160 = arith.constant 100 : i32
    %mul3A_161 = vector.broadcast %mul3A_160 : i32 to vector<16xi32>
    %mul3A_162 = arith.muli %min3A_159, %mul3A_161 : vector<16xi32>
    %get3A_163 = arith.constant 48 : index
    %get3A_164 = tpu.vector_load %arg13[%get3A_163] {strides = array<i32>} : memref<128xi32, #tpu.memory_space<vmem>>, vector<16xi32>,
    %jit3A_165 = arith.constant 0 : i32
    %jit3A_166 = arith.constant 99 : i32
    %max3A_167 = vector.broadcast %jit3A_165 : i32 to vector<16xi32>
    %max3A_168 = arith.maxsi %max3A_167, %get3A_164 : vector<16xi32>
    %min3A_169 = vector.broadcast %jit3A_166 : i32 to vector<16xi32>
    %min3A_170 = arith.minsi %min3A_169, %max3A_168 : vector<16xi32>
    %add3A_171 = arith.addi %mul3A_162, %min3A_170 : vector<16xi32>
    %swap3A_172 = arith.constant 48 : index
    %swap3A_173 = tpu.vector_load %arg11[%swap3A_172] {strides = array<i32>} : memref<128xi32, #tpu.memory_space<vmem>>, vector<16xi32>,
    tpu.vector_store %arg11[%swap3A_172], %add3A_171 {strides = array<i32>} : memref<128xi32, #tpu.memory_space<vmem>>, vector<16xi32>,
    %get3A_174 = arith.constant 64 : index
    %get3A_175 = tpu.vector_load %arg10[%get3A_174] {strides = array<i32>} : memref<128xi32, #tpu.memory_space<vmem>>, vector<16xi32>,
    %jit3A_176 = arith.constant 0 : i32
    %jit3A_177 = arith.constant 999 : i32
    %max3A_178 = vector.broadcast %jit3A_176 : i32 to vector<16xi32>
    %max3A_179 = arith.maxsi %max3A_178, %get3A_175 : vector<16xi32>
    %min3A_180 = vector.broadcast %jit3A_177 : i32 to vector<16xi32>
    %min3A_181 = arith.minsi %min3A_180, %max3A_179 : vector<16xi32>
    %mul3A_182 = arith.constant 100 : i32
    %mul3A_183 = vector.broadcast %mul3A_182 : i32 to vector<16xi32>
    %mul3A_184 = arith.muli %min3A_181, %mul3A_183 : vector<16xi32>
    %get3A_185 = arith.constant 64 : index
    %get3A_186 = tpu.vector_load %arg12[%get3A_185] {strides = array<i32>} : memref<128xi32, #tpu.memory_space<vmem>>, vector<16xi32>,
    %jit3A_187 = arith.constant 0 : i32
    %jit3A_188 = arith.constant 99 : i32
    %max3A_189 = vector.broadcast %jit3A_187 : i32 to vector<16xi32>
    %max3A_190 = arith.maxsi %max3A_189, %get3A_186 : vector<16xi32>
    %min3A_191 = vector.broadcast %jit3A_188 : i32 to vector<16xi32>
    %min3A_192 = arith.minsi %min3A_191, %max3A_190 : vector<16xi32>
    %add3A_193 = arith.addi %mul3A_184, %min3A_192 : vector<16xi32>
    %swap3A_194 = arith.constant 64 : index
    %swap3A_195 = tpu.vector_load %arg10[%swap3A_194] {strides = array<i32>} : memref<128xi32, #tpu.memory_space<vmem>>, vector<16xi32>,
    tpu.vector_store %arg10[%swap3A_194], %add3A_193 {strides = array<i32>} : memref<128xi32, #tpu.memory_space<vmem>>, vector<16xi32>,
    %get3A_196 = arith.constant 64 : index
    %get3A_197 = tpu.vector_load %arg11[%get3A_196] {strides = array<i32>} : memref<128xi32, #tpu.memory_space<vmem>>, vector<16xi32>,
    %jit3A_198 = arith.constant 0 : i32
    %jit3A_199 = arith.constant 999 : i32
    %max3A_200 = vector.broadcast %jit3A_198 : i32 to vector<16xi32>
    %max3A_201 = arith.maxsi %max3A_200, %get3A_197 : vector<16xi32>
    %min3A_202 = vector.broadcast %jit3A_199 : i32 to vector<16xi32>
    %min3A_203 = arith.minsi %min3A_202, %max3A_201 : vector<16xi32>
    %mul3A_204 = arith.constant 100 : i32
    %mul3A_205 = vector.broadcast %mul3A_204 : i32 to vector<16xi32>
    %mul3A_206 = arith.muli %min3A_203, %mul3A_205 : vector<16xi32>
    %get3A_207 = arith.constant 64 : index
    %get3A_208 = tpu.vector_load %arg13[%get3A_207] {strides = array<i32>} : memref<128xi32, #tpu.memory_space<vmem>>, vector<16xi32>,
    %jit3A_209 = arith.constant 0 : i32
    %jit3A_210 = arith.constant 99 : i32
    %max3A_211 = vector.broadcast %jit3A_209 : i32 to vector<16xi32>
    %max3A_212 = arith.maxsi %max3A_211, %get3A_208 : vector<16xi32>
    %min3A_213 = vector.broadcast %jit3A_210 : i32 to vector<16xi32>
    %min3A_214 = arith.minsi %min3A_213, %max3A_212 : vector<16xi32>
    %add3A_215 = arith.addi %mul3A_206, %min3A_214 : vector<16xi32>
    %swap3A_216 = arith.constant 64 : index
    %swap3A_217 = tpu.vector_load %arg11[%swap3A_216] {strides = array<i32>} : memref<128xi32, #tpu.memory_space<vmem>>, vector<16xi32>,
    tpu.vector_store %arg11[%swap3A_216], %add3A_215 {strides = array<i32>} : memref<128xi32, #tpu.memory_space<vmem>>, vector<16xi32>,
    %get3A_218 = arith.constant 80 : index
    %get3A_219 = tpu.vector_load %arg10[%get3A_218] {strides = array<i32>} : memref<128xi32, #tpu.memory_space<vmem>>, vector<16xi32>,
    %jit3A_220 = arith.constant 0 : i32
    %jit3A_221 = arith.constant 999 : i32
    %max3A_222 = vector.broadcast %jit3A_220 : i32 to vector<16xi32>
    %max3A_223 = arith.maxsi %max3A_222, %get3A_219 : vector<16xi32>
    %min3A_224 = vector.broadcast %jit3A_221 : i32 to vector<16xi32>
    %min3A_225 = arith.minsi %min3A_224, %max3A_223 : vector<16xi32>
    %mul3A_226 = arith.constant 100 : i32
    %mul3A_227 = vector.broadcast %mul3A_226 : i32 to vector<16xi32>
    %mul3A_228 = arith.muli %min3A_225, %mul3A_227 : vector<16xi32>
    %get3A_229 = arith.constant 80 : index
    %get3A_230 = tpu.vector_load %arg12[%get3A_229] {strides = array<i32>} : memref<128xi32, #tpu.memory_space<vmem>>, vector<16xi32>,
    %jit3A_231 = arith.constant 0 : i32
    %jit3A_232 = arith.constant 99 : i32
    %max3A_233 = vector.broadcast %jit3A_231 : i32 to vector<16xi32>
    %max3A_234 = arith.maxsi %max3A_233, %get3A_230 : vector<16xi32>
    %min3A_235 = vector.broadcast %jit3A_232 : i32 to vector<16xi32>
    %min3A_236 = arith.minsi %min3A_235, %max3A_234 : vector<16xi32>
    %add3A_237 = arith.addi %mul3A_228, %min3A_236 : vector<16xi32>
    %swap3A_238 = arith.constant 80 : index
    %swap3A_239 = tpu.vector_load %arg10[%swap3A_238] {strides = array<i32>} : memref<128xi32, #tpu.memory_space<vmem>>, vector<16xi32>,
    tpu.vector_store %arg10[%swap3A_238], %add3A_237 {strides = array<i32>} : memref<128xi32, #tpu.memory_space<vmem>>, vector<16xi32>,
    %get3A_240 = arith.constant 80 : index
    %get3A_241 = tpu.vector_load %arg11[%get3A_240] {strides = array<i32>} : memref<128xi32, #tpu.memory_space<vmem>>, vector<16xi32>,
    %jit3A_242 = arith.constant 0 : i32
    %jit3A_243 = arith.constant 999 : i32
    %max3A_244 = vector.broadcast %jit3A_242 : i32 to vector<16xi32>
    %max3A_245 = arith.maxsi %max3A_244, %get3A_241 : vector<16xi32>
    %min3A_246 = vector.broadcast %jit3A_243 : i32 to vector<16xi32>
    %min3A_247 = arith.minsi %min3A_246, %max3A_245 : vector<16xi32>
    %mul3A_248 = arith.constant 100 : i32
    %mul3A_249 = vector.broadcast %mul3A_248 : i32 to vector<16xi32>
    %mul3A_250 = arith.muli %min3A_247, %mul3A_249 : vector<16xi32>
    %get3A_251 = arith.constant 80 : index
    %get3A_252 = tpu.vector_load %arg13[%get3A_251] {strides = array<i32>} : memref<128xi32, #tpu.memory_space<vmem>>, vector<16xi32>,
    %jit3A_253 = arith.constant 0 : i32
    %jit3A_254 = arith.constant 99 : i32
    %max3A_255 = vector.broadcast %jit3A_253 : i32 to vector<16xi32>
    %max3A_256 = arith.maxsi %max3A_255, %get3A_252 : vector<16xi32>
    %min3A_257 = vector.broadcast %jit3A_254 : i32 to vector<16xi32>
    %min3A_258 = arith.minsi %min3A_257, %max3A_256 : vector<16xi32>
    %add3A_259 = arith.addi %mul3A_250, %min3A_258 : vector<16xi32>
    %swap3A_260 = arith.constant 80 : index
    %swap3A_261 = tpu.vector_load %arg11[%swap3A_260] {strides = array<i32>} : memref<128xi32, #tpu.memory_space<vmem>>, vector<16xi32>,
    tpu.vector_store %arg11[%swap3A_260], %add3A_259 {strides = array<i32>} : memref<128xi32, #tpu.memory_space<vmem>>, vector<16xi32>,
    %get3A_262 = arith.constant 96 : index
    %get3A_263 = tpu.vector_load %arg10[%get3A_262] {strides = array<i32>} : memref<128xi32, #tpu.memory_space<vmem>>, vector<16xi32>,
    %jit3A_264 = arith.constant 0 : i32
    %jit3A_265 = arith.constant 999 : i32
    %max3A_266 = vector.broadcast %jit3A_264 : i32 to vector<16xi32>
    %max3A_267 = arith.maxsi %max3A_266, %get3A_263 : vector<16xi32>
    %min3A_268 = vector.broadcast %jit3A_265 : i32 to vector<16xi32>
    %min3A_269 = arith.minsi %min3A_268, %max3A_267 : vector<16xi32>
    %mul3A_270 = arith.constant 100 : i32
    %mul3A_271 = vector.broadcast %mul3A_270 : i32 to vector<16xi32>
    %mul3A_272 = arith.muli %min3A_269, %mul3A_271 : vector<16xi32>
    %get3A_273 = arith.constant 96 : index
    %get3A_274 = tpu.vector_load %arg12[%get3A_273] {strides = array<i32>} : memref<128xi32, #tpu.memory_space<vmem>>, vector<16xi32>,
    %jit3A_275 = arith.constant 0 : i32
    %jit3A_276 = arith.constant 99 : i32
    %max3A_277 = vector.broadcast %jit3A_275 : i32 to vector<16xi32>
    %max3A_278 = arith.maxsi %max3A_277, %get3A_274 : vector<16xi32>
    %min3A_279 = vector.broadcast %jit3A_276 : i32 to vector<16xi32>
    %min3A_280 = arith.minsi %min3A_279, %max3A_278 : vector<16xi32>
    %add3A_281 = arith.addi %mul3A_272, %min3A_280 : vector<16xi32>
    %swap3A_282 = arith.constant 96 : index
    %swap3A_283 = tpu.vector_load %arg10[%swap3A_282] {strides = array<i32>} : memref<128xi32, #tpu.memory_space<vmem>>, vector<16xi32>,
    tpu.vector_store %arg10[%swap3A_282], %add3A_281 {strides = array<i32>} : memref<128xi32, #tpu.memory_space<vmem>>, vector<16xi32>,
    %get3A_284 = arith.constant 96 : index
    %get3A_285 = tpu.vector_load %arg11[%get3A_284] {strides = array<i32>} : memref<128xi32, #tpu.memory_space<vmem>>, vector<16xi32>,
    %jit3A_286 = arith.constant 0 : i32
    %jit3A_287 = arith.constant 999 : i32
    %max3A_288 = vector.broadcast %jit3A_286 : i32 to vector<16xi32>
    %max3A_289 = arith.maxsi %max3A_288, %get3A_285 : vector<16xi32>
    %min3A_290 = vector.broadcast %jit3A_287 : i32 to vector<16xi32>
    %min3A_291 = arith.minsi %min3A_290, %max3A_289 : vector<16xi32>
    %mul3A_292 = arith.constant 100 : i32
    %mul3A_293 = vector.broadcast %mul3A_292 : i32 to vector<16xi32>
    %mul3A_294 = arith.muli %min3A_291, %mul3A_293 : vector<16xi32>
    %get3A_295 = arith.constant 96 : index
    %get3A_296 = tpu.vector_load %arg13[%get3A_295] {strides = array<i32>} : memref<128xi32, #tpu.memory_space<vmem>>, vector<16xi32>,
    %jit3A_297 = arith.constant 0 : i32
    %jit3A_298 = arith.constant 99 : i32
    %max3A_299 = vector.broadcast %jit3A_297 : i32 to vector<16xi32>
    %max3A_300 = arith.maxsi %max3A_299, %get3A_296 : vector<16xi32>
    %min3A_301 = vector.broadcast %jit3A_298 : i32 to vector<16xi32>
    %min3A_302 = arith.minsi %min3A_301, %max3A_300 : vector<16xi32>
    %add3A_303 = arith.addi %mul3A_294, %min3A_302 : vector<16xi32>
    %swap3A_304 = arith.constant 96 : index
    %swap3A_305 = tpu.vector_load %arg11[%swap3A_304] {strides = array<i32>} : memref<128xi32, #tpu.memory_space<vmem>>, vector<16xi32>,
    tpu.vector_store %arg11[%swap3A_304], %add3A_303 {strides = array<i32>} : memref<128xi32, #tpu.memory_space<vmem>>, vector<16xi32>,
    %get3A_306 = arith.constant 112 : index
    %get3A_307 = tpu.vector_load %arg10[%get3A_306] {strides = array<i32>} : memref<128xi32, #tpu.memory_space<vmem>>, vector<16xi32>,
    %jit3A_308 = arith.constant 0 : i32
    %jit3A_309 = arith.constant 999 : i32
    %max3A_310 = vector.broadcast %jit3A_308 : i32 to vector<16xi32>
    %max3A_311 = arith.maxsi %max3A_310, %get3A_307 : vector<16xi32>
    %min3A_312 = vector.broadcast %jit3A_309 : i32 to vector<16xi32>
    %min3A_313 = arith.minsi %min3A_312, %max3A_311 : vector<16xi32>
    %mul3A_314 = arith.constant 100 : i32
    %mul3A_315 = vector.broadcast %mul3A_314 : i32 to vector<16xi32>
    %mul3A_316 = arith.muli %min3A_313, %mul3A_315 : vector<16xi32>
    %get3A_317 = arith.constant 112 : index
    %get3A_318 = tpu.vector_load %arg12[%get3A_317] {strides = array<i32>} : memref<128xi32, #tpu.memory_space<vmem>>, vector<16xi32>,
    %jit3A_319 = arith.constant 0 : i32
    %jit3A_320 = arith.constant 99 : i32
    %max3A_321 = vector.broadcast %jit3A_319 : i32 to vector<16xi32>
    %max3A_322 = arith.maxsi %max3A_321, %get3A_318 : vector<16xi32>
    %min3A_323 = vector.broadcast %jit3A_320 : i32 to vector<16xi32>
    %min3A_324 = arith.minsi %min3A_323, %max3A_322 : vector<16xi32>
    %add3A_325 = arith.addi %mul3A_316, %min3A_324 : vector<16xi32>
    %swap3A_326 = arith.constant 112 : index
    %swap3A_327 = tpu.vector_load %arg10[%swap3A_326] {strides = array<i32>} : memref<128xi32, #tpu.memory_space<vmem>>, vector<16xi32>,
    tpu.vector_store %arg10[%swap3A_326], %add3A_325 {strides = array<i32>} : memref<128xi32, #tpu.memory_space<vmem>>, vector<16xi32>,
    %get3A_328 = arith.constant 112 : index
    %get3A_329 = tpu.vector_load %arg11[%get3A_328] {strides = array<i32>} : memref<128xi32, #tpu.memory_space<vmem>>, vector<16xi32>,
    %jit3A_330 = arith.constant 0 : i32
    %jit3A_331 = arith.constant 999 : i32
    %max3A_332 = vector.broadcast %jit3A_330 : i32 to vector<16xi32>
    %max3A_333 = arith.maxsi %max3A_332, %get3A_329 : vector<16xi32>
    %min3A_334 = vector.broadcast %jit3A_331 : i32 to vector<16xi32>
    %min3A_335 = arith.minsi %min3A_334, %max3A_333 : vector<16xi32>
    %mul3A_336 = arith.constant 100 : i32
    %mul3A_337 = vector.broadcast %mul3A_336 : i32 to vector<16xi32>
    %mul3A_338 = arith.muli %min3A_335, %mul3A_337 : vector<16xi32>
    %get3A_339 = arith.constant 112 : index
    %get3A_340 = tpu.vector_load %arg13[%get3A_339] {strides = array<i32>} : memref<128xi32, #tpu.memory_space<vmem>>, vector<16xi32>,
    %jit3A_341 = arith.constant 0 : i32
    %jit3A_342 = arith.constant 99 : i32
    %max3A_343 = vector.broadcast %jit3A_341 : i32 to vector<16xi32>
    %max3A_344 = arith.maxsi %max3A_343, %get3A_340 : vector<16xi32>
    %min3A_345 = vector.broadcast %jit3A_342 : i32 to vector<16xi32>
    %min3A_346 = arith.minsi %min3A_345, %max3A_344 : vector<16xi32>
    %add3A_347 = arith.addi %mul3A_338, %min3A_346 : vector<16xi32>
    %swap3A_348 = arith.constant 112 : index
    %swap3A_349 = tpu.vector_load %arg11[%swap3A_348] {strides = array<i32>} : memref<128xi32, #tpu.memory_space<vmem>>, vector<16xi32>,
    tpu.vector_store %arg11[%swap3A_348], %add3A_347 {strides = array<i32>} : memref<128xi32, #tpu.memory_space<vmem>>, vector<16xi32>,
    %iota3A = tpu.iota {dimensions = array<i32: 0>} : vector<16xi32>
    %scan3A = arith.constant 0 : i32
    %scan3A_350 = arith.constant 0 : i32
    %scan3A_351 = arith.constant 128 : i32
    %scan3A_352 = arith.addi %scan3A_350, %scan3A_351 : i32
    %scan3A_353 = arith.constant 1 : i32
    scf.for %scan3A_366 = %scan3A_350 to %scan3A_352 step %scan3A_353  : i32 {
      %jit3A_367 = arith.constant 16 : i32
      %div3A = arith.divsi %scan3A_366, %jit3A_367 : i32
      %sign3A = arith.constant 0 : i32
      %sign3A_368 = arith.cmpi sgt, %scan3A_366, %sign3A : i32
      %sign3A_369 = arith.extui %sign3A_368 : i1 to i32
      %sign3A_370 = arith.constant 0 : i32
      %sign3A_371 = arith.cmpi slt, %scan3A_366, %sign3A_370 : i32
      %sign3A_372 = arith.extui %sign3A_371 : i1 to i32
      %sign3A_373 = arith.subi %sign3A_369, %sign3A_372 : i32
      %sign3A_374 = arith.constant 0 : i32
      %sign3A_375 = arith.cmpi sgt, %jit3A_367, %sign3A_374 : i32
      %sign3A_376 = arith.extui %sign3A_375 : i1 to i32
      %sign3A_377 = arith.constant 0 : i32
      %sign3A_378 = arith.cmpi slt, %jit3A_367, %sign3A_377 : i32
      %sign3A_379 = arith.extui %sign3A_378 : i1 to i32
      %sign3A_380 = arith.subi %sign3A_376, %sign3A_379 : i32
      %ne3A = arith.cmpi ne, %sign3A_373, %sign3A_380 : i32
      %rem3A = arith.remsi %scan3A_366, %jit3A_367 : i32
      %ne3A_381 = arith.constant 0 : i32
      %ne3A_382 = arith.cmpi ne, %rem3A, %ne3A_381 : i32
      %and3A = arith.andi %ne3A, %ne3A_382 : i1
      %sub3A = arith.constant 1 : i32
      %sub3A_383 = arith.subi %div3A, %sub3A : i32
      %select_n3A = arith.select %and3A, %sub3A_383, %div3A : i32
      %mul3A_384 = arith.constant 16 : i32
      %mul3A_385 = arith.muli %select_n3A, %mul3A_384 : i32
      %sub3A_386 = arith.subi %scan3A_366, %mul3A_385 : i32
      %get3A_387 = arith.index_cast %mul3A_385 : i32 to index
      %get3A_388 = tpu.vector_load %arg10[%get3A_387] {strides = array<i32>} : memref<128xi32, #tpu.memory_space<vmem>>, vector<16xi32>,
      %get3A_389 = arith.index_cast %mul3A_385 : i32 to index
      %get3A_390 = tpu.vector_load %arg11[%get3A_389] {strides = array<i32>} : memref<128xi32, #tpu.memory_space<vmem>>, vector<16xi32>,
      %eq3A = vector.broadcast %sub3A_386 : i32 to vector<16xi32>
      %eq3A_391 = arith.cmpi eq, %iota3A, %eq3A : vector<16xi32>
      %jit3A_392 = arith.constant 0 : i32
      %broadcast_in_dim3A = vector.broadcast %jit3A_392 : i32 to vector<16xi32>
      %select_n3A_393 = arith.select %eq3A_391, %get3A_388, %broadcast_in_dim3A : vector<16xi1>, vector<16xi32>
      %reduce_sum3A = arith.constant true
      %reduce_sum3A_394 = vector.broadcast %reduce_sum3A : i1 to vector<16xi1>
      %reduce_sum3A_395 = tpu.scan <sum>, %select_n3A_393 masked %reduce_sum3A_394 : vector<16xi32>, vector<16xi1> -> vector<16xi32>
      %reduce_sum3A_396 = vector.extract %reduce_sum3A_395[15] : i32 from vector<16xi32>
      %eq3A_397 = vector.broadcast %sub3A_386 : i32 to vector<16xi32>
      %eq3A_398 = arith.cmpi eq, %iota3A, %eq3A_397 : vector<16xi32>
      %jit3A_399 = arith.constant 0 : i32
      %broadcast_in_dim3A_400 = vector.broadcast %jit3A_399 : i32 to vector<16xi32>
      %select_n3A_401 = arith.select %eq3A_398, %get3A_390, %broadcast_in_dim3A_400 : vector<16xi1>, vector<16xi32>
      %reduce_sum3A_402 = arith.constant true
      %reduce_sum3A_403 = vector.broadcast %reduce_sum3A_402 : i1 to vector<16xi1>
      %reduce_sum3A_404 = tpu.scan <sum>, %select_n3A_401 masked %reduce_sum3A_403 : vector<16xi32>, vector<16xi1> -> vector<16xi32>
      %reduce_sum3A_405 = vector.extract %reduce_sum3A_404[15] : i32 from vector<16xi32>
      %dma_start3A = arith.constant 0 : i32
      %dma_start3A_406 = tpu.memref_slice %arg14[%scan3A_366, %dma_start3A] : memref<128x32xf32, #tpu.memory_space<vmem>> -> memref<1x32xf32, #tpu.memory_space<vmem>>
      %dma_start3A_407 = arith.constant 0 : i32
      %dma_start3A_408 = tpu.memref_slice %arg6[%reduce_sum3A_396, %dma_start3A_407] : memref<100000x32xf32, #tpu.memory_space<hbm>> -> memref<1x32xf32, #tpu.memory_space<hbm>>
      %dma_start3A_409 = arith.constant 0 : i32
      %dma_start3A_410 = tpu.memref_slice %arg14[%scan3A_366, %dma_start3A_409] : memref<128x32xf32, #tpu.memory_space<vmem>> -> memref<1x32xf32, #tpu.memory_space<vmem>>
      %dma_start3A_411 = arith.constant 0 : i32
      %dma_start3A_412 = tpu.memref_slice %arg6[%reduce_sum3A_396, %dma_start3A_411] : memref<100000x32xf32, #tpu.memory_space<hbm>> -> memref<1x32xf32, #tpu.memory_space<hbm>>
      tpu.enqueue_dma source(%dma_start3A_412 : memref<1x32xf32, #tpu.memory_space<hbm>>) target(%dma_start3A_410 : memref<1x32xf32, #tpu.memory_space<vmem>>) target_semaphore(%arg16 : memref<!tpu.dma_semaphore, #tpu.memory_space<semaphore_mem>>)
      %dma_start3A_413 = arith.constant 0 : i32
      %dma_start3A_414 = tpu.memref_slice %arg15[%scan3A_366, %dma_start3A_413] : memref<128x32xf32, #tpu.memory_space<vmem>> -> memref<1x32xf32, #tpu.memory_space<vmem>>
      %dma_start3A_415 = arith.constant 0 : i32
      %dma_start3A_416 = tpu.memref_slice %arg7[%reduce_sum3A_405, %dma_start3A_415] : memref<100000x32xf32, #tpu.memory_space<hbm>> -> memref<1x32xf32, #tpu.memory_space<hbm>>
      %dma_start3A_417 = arith.constant 0 : i32
      %dma_start3A_418 = tpu.memref_slice %arg15[%scan3A_366, %dma_start3A_417] : memref<128x32xf32, #tpu.memory_space<vmem>> -> memref<1x32xf32, #tpu.memory_space<vmem>>
      %dma_start3A_419 = arith.constant 0 : i32
      %dma_start3A_420 = tpu.memref_slice %arg7[%reduce_sum3A_405, %dma_start3A_419] : memref<100000x32xf32, #tpu.memory_space<hbm>> -> memref<1x32xf32, #tpu.memory_space<hbm>>
      tpu.enqueue_dma source(%dma_start3A_420 : memref<1x32xf32, #tpu.memory_space<hbm>>) target(%dma_start3A_418 : memref<1x32xf32, #tpu.memory_space<vmem>>) target_semaphore(%arg17 : memref<!tpu.dma_semaphore, #tpu.memory_space<semaphore_mem>>)
    }
    %scan3A_354 = arith.constant 128 : i32
    %dma_wait3A = arith.constant 0 : i32
    %dma_wait3A_355 = arith.constant 0 : i32
    %dma_wait3A_356 = tpu.memref_slice %arg6[%dma_wait3A, %dma_wait3A_355] : memref<100000x32xf32, #tpu.memory_space<hbm>> -> memref<128x32xf32, #tpu.memory_space<hbm>>
    %dma_wait3A_357 = arith.constant 0 : i32
    %dma_wait3A_358 = arith.constant 0 : i32
    %dma_wait3A_359 = tpu.memref_slice %arg6[%dma_wait3A_357, %dma_wait3A_358] : memref<100000x32xf32, #tpu.memory_space<hbm>> -> memref<128x32xf32, #tpu.memory_space<hbm>>
    tpu.wait_dma2 semaphore(%arg16 : memref<!tpu.dma_semaphore, #tpu.memory_space<semaphore_mem>>) src(%dma_wait3A_359 : memref<128x32xf32, #tpu.memory_space<hbm>>) dst(%arg14 : memref<128x32xf32, #tpu.memory_space<vmem>>)
    %dma_wait3A_360 = arith.constant 0 : i32
    %dma_wait3A_361 = arith.constant 0 : i32
    %dma_wait3A_362 = tpu.memref_slice %arg7[%dma_wait3A_360, %dma_wait3A_361] : memref<100000x32xf32, #tpu.memory_space<hbm>> -> memref<128x32xf32, #tpu.memory_space<hbm>>
    %dma_wait3A_363 = arith.constant 0 : i32
    %dma_wait3A_364 = arith.constant 0 : i32
    %dma_wait3A_365 = tpu.memref_slice %arg7[%dma_wait3A_363, %dma_wait3A_364] : memref<100000x32xf32, #tpu.memory_space<hbm>> -> memref<128x32xf32, #tpu.memory_space<hbm>>
    tpu.wait_dma2 semaphore(%arg17 : memref<!tpu.dma_semaphore, #tpu.memory_space<semaphore_mem>>) src(%dma_wait3A_365 : memref<128x32xf32, #tpu.memory_space<hbm>>) dst(%arg15 : memref<128x32xf32, #tpu.memory_space<vmem>>)
    "tpu.region"() ({
      %run_scoped3A = tpu.sem_alloc : memref<!tpu.dma_semaphore, #tpu.memory_space<semaphore_mem>>
      %dma_start3A = arith.constant 0 : i32
      %dma_start3A_366 = tpu.memref_slice %arg8[%mul3A_2, %dma_start3A] : memref<4096x32xf32, #tpu.memory_space<hbm>> -> memref<128x32xf32, #tpu.memory_space<hbm>>
      %dma_start3A_367 = arith.constant 0 : i32
      %dma_start3A_368 = tpu.memref_slice %arg8[%mul3A_2, %dma_start3A_367] : memref<4096x32xf32, #tpu.memory_space<hbm>> -> memref<128x32xf32, #tpu.memory_space<hbm>>
      tpu.enqueue_dma source(%arg14 : memref<128x32xf32, #tpu.memory_space<vmem>>) target(%dma_start3A_368 : memref<128x32xf32, #tpu.memory_space<hbm>>) target_semaphore(%run_scoped3A : memref<!tpu.dma_semaphore, #tpu.memory_space<semaphore_mem>>)
      %dma_wait3A_369 = arith.constant 0 : i32
      %dma_wait3A_370 = tpu.memref_slice %arg8[%mul3A_2, %dma_wait3A_369] : memref<4096x32xf32, #tpu.memory_space<hbm>> -> memref<128x32xf32, #tpu.memory_space<hbm>>
      %dma_wait3A_371 = arith.constant 0 : i32
      %dma_wait3A_372 = tpu.memref_slice %arg8[%mul3A_2, %dma_wait3A_371] : memref<4096x32xf32, #tpu.memory_space<hbm>> -> memref<128x32xf32, #tpu.memory_space<hbm>>
      tpu.wait_dma2 semaphore(%run_scoped3A : memref<!tpu.dma_semaphore, #tpu.memory_space<semaphore_mem>>) src(%arg14 : memref<128x32xf32, #tpu.memory_space<vmem>>) dst(%dma_wait3A_372 : memref<128x32xf32, #tpu.memory_space<hbm>>)
      tpu.yield
    }) : () -> ()
    "tpu.region"() ({
      %run_scoped3A = tpu.sem_alloc : memref<!tpu.dma_semaphore, #tpu.memory_space<semaphore_mem>>
      %dma_start3A = arith.constant 0 : i32
      %dma_start3A_366 = tpu.memref_slice %arg9[%mul3A_2, %dma_start3A] : memref<4096x32xf32, #tpu.memory_space<hbm>> -> memref<128x32xf32, #tpu.memory_space<hbm>>
      %dma_start3A_367 = arith.constant 0 : i32
      %dma_start3A_368 = tpu.memref_slice %arg9[%mul3A_2, %dma_start3A_367] : memref<4096x32xf32, #tpu.memory_space<hbm>> -> memref<128x32xf32, #tpu.memory_space<hbm>>
      tpu.enqueue_dma source(%arg15 : memref<128x32xf32, #tpu.memory_space<vmem>>) target(%dma_start3A_368 : memref<128x32xf32, #tpu.memory_space<hbm>>) target_semaphore(%run_scoped3A : memref<!tpu.dma_semaphore, #tpu.memory_space<semaphore_mem>>)
      %dma_wait3A_369 = arith.constant 0 : i32
      %dma_wait3A_370 = tpu.memref_slice %arg9[%mul3A_2, %dma_wait3A_369] : memref<4096x32xf32, #tpu.memory_space<hbm>> -> memref<128x32xf32, #tpu.memory_space<hbm>>
      %dma_wait3A_371 = arith.constant 0 : i32
      %dma_wait3A_372 = tpu.memref_slice %arg9[%mul3A_2, %dma_wait3A_371] : memref<4096x32xf32, #tpu.memory_space<hbm>> -> memref<128x32xf32, #tpu.memory_space<hbm>>
      tpu.wait_dma2 semaphore(%run_scoped3A : memref<!tpu.dma_semaphore, #tpu.memory_space<semaphore_mem>>) src(%arg15 : memref<128x32xf32, #tpu.memory_space<vmem>>) dst(%dma_wait3A_372 : memref<128x32xf32, #tpu.memory_space<hbm>>)
      tpu.yield
    }) : () -> ()
    return
  }
}

module attributes {stable_mosaic.version = 14 : i64} {
  func.func @_mm_body(%arg0: i32, %arg1: memref<512x32xf32, #tpu.memory_space<vmem>>, %arg2: memref<4096x32xf32, #tpu.memory_space<vmem>>, %arg3: memref<512x4096xf32, #tpu.memory_space<vmem>>) attributes {dimension_semantics = [#tpu.dimension_semantics<arbitrary>], iteration_bounds = array<i64: 8>, scalar_prefetch = 0 : i64, scratch_operands = 0 : i64, tpu.core_type = #tpu.core_type<tc>, window_params = [{transform_indices = @transform_0, window_bounds = array<i64: 512, 32>}, {pipeline_mode = #tpu.pipeline_mode<synchronous>, transform_indices = @transform_1, window_bounds = array<i64: 4096, 32>}, {transform_indices = @transform_2, window_bounds = array<i64: 512, 4096>}]} {
    %get3A = arith.constant 0 : index
    %get3A_0 = arith.constant 0 : index
    %get3A_1 = vector.load %arg1[%get3A, %get3A_0] : memref<512x32xf32, #tpu.memory_space<vmem>>, vector<512x32xf32>
    %get3A_2 = arith.constant 0 : index
    %get3A_3 = arith.constant 0 : index
    %get3A_4 = vector.load %arg2[%get3A_2, %get3A_3] : memref<4096x32xf32, #tpu.memory_space<vmem>>, vector<4096x32xf32>
    %dot_general3A = arith.constant dense<0.000000e+00> : vector<512x4096xf32>
    %dot_general3A_5 = tpu.matmul %get3A_1, %get3A_4, %dot_general3A {dimension_numbers = #tpu.dot_dimension_numbers<[1], [1], [0], [0], [0, 0, 1, 0], [], []>, transpose_lhs_hint = false} : vector<512x32xf32>, vector<4096x32xf32>, vector<512x4096xf32> -> vector<512x4096xf32>
    %swap3A = arith.constant 0 : index
    %swap3A_6 = arith.constant 0 : index
    %swap3A_7 = vector.load %arg3[%swap3A, %swap3A_6] : memref<512x4096xf32, #tpu.memory_space<vmem>>, vector<512x4096xf32>
    tpu.vector_store %arg3[%swap3A, %swap3A_6], %dot_general3A_5 {strides = array<i32>} : memref<512x4096xf32, #tpu.memory_space<vmem>>, vector<512x4096xf32>,
    return
  }
  func.func @transform_0(%arg0: i32) -> (i32, i32) {
    %c0_i32 = arith.constant 0 : i32
    %c0_i32_0 = arith.constant 0 : i32
    return %arg0, %c0_i32 : i32, i32
  }
  func.func @transform_1(%arg0: i32) -> (i32, i32) {
    %c0_i32 = arith.constant 0 : i32
    %c0_i32_0 = arith.constant 0 : i32
    %c0_i32_1 = arith.constant 0 : i32
    return %c0_i32, %c0_i32_0 : i32, i32
  }
  func.func @transform_2(%arg0: i32) -> (i32, i32) {
    %c0_i32 = arith.constant 0 : i32
    %c0_i32_0 = arith.constant 0 : i32
    return %arg0, %c0_i32 : i32, i32
  }
}

</mosaic_0001>

<sc_bundles>
// kernel: kernel.4.cloned.1.call-start
scs
__scs_entry_jumppad:
0x0: {  	(pc) =	sbr.rel $0x88, $3  }
0x1: {  	(tag) =	ssettag $0x0;
	lr =	simm.s32 $0x1  }
0x2: {  	[smem:$0x3F9B] =	sst lr;
	_ =	strace $0xD0000000  }
0x3: {  	_ = 	snop  }
0x4: {  	_ = 	snop  }
0x5: {  	_ = 	snop  }
0x6: {  	_ = 	snop  }
0x7: {  	_ = 	snop  }
__scs_overlays_trampoline_lowered:
0x8: {  	[smem:$0x3FAA] =	sst s0  }
0x9: {  	[smem:$0x3FAB] =	sst s1  }
0xa: {  	[smem:$0x3FAC] =	sst s2  }
0xb: {  	[smem:$0x3FAD] =	sst s3  }
0xc: {  	[smem:$0x3FAE] =	sst s4  }
0xd: {  	[smem:$0x3FAF] =	sst s5  }
0xe: {  	[smem:$0x3FB0] =	sst s6  }
0xf: {  	[smem:$0x3FB1] =	sst s7  }
0x10: {  	[smem:$0x3FB2] =	sst s8  }
0x11: {  	[smem:$0x3FB3] =	sst s9;
	s0 =	simm.s32 @!p0 $0x0  }
0x12: {  	s1 =	sld [smem:$0x3F99];
	s0 =	simm.s32 @p0 $0x1  }
0x13: {  	[smem:$0x3FB4] =	sst s0;
	s0 =	simm.s32 @!p1 $0x0  }
0x14: {  	s2 =	sld [smem:$0x3F98];
	s0 =	simm.s32 @p1 $0x1  }
0x15: {  	[smem:$0x3FB5] =	sst s0;
	s0 =	simm.s32 @!p2 $0x0  }
0x16: {  	s3 =	sld [smem:$0x3FDB];
	s0 =	simm.s32 @p2 $0x1  }
0x17: {  	s4 =	simm.s32 $0x1BF5;
	[smem:$0x3FB7] =	sst s0  }
0x18: {  	s0 =	sld [smem:$0x3F9A];
	_ =	swait.ge [sflag:s4], $0x0  }
0x19: {  	s7 =	sld [smem:$0x3F9B]  }
0x1a: {  	s8 =	sadd.s32 $0xFFFFE003, lr  }
0x1b: {  	s9 =	sadd.s32 $0xFFFFFEF7, lr;
	s5 =	simm.s32 $0xFFFFFFFF;
	p2 =	slt.u32 s8, $0xFFFFF086  }
0x1c: {  	p1 =	slt.u32 s9, $0xF7A;
	s5 =	simm.s32 @!p2 $0x0  }
0x1d: {  	s5 =	simm.s32 @p1 $0x1;
	p0 =	seq.s32 s7, s2  }
0x1e: {  	s7 =	smul.u32 @!p0 $0xF7A, s2;
	p2 =	seq.s32 @!p0 s5, $0x0  }
0x1f: {  	s9 =	smul.u32 $0xF7A, s1;
	s8 =	simm.s32 @!p0 $0x1BF5;
	p2 =	por !p2, p0  }
0x20: {  	[sflag:s8] =	ssyncset.s32 @!p0 $0xFFFFF086;
	s6 =	sadd.s32 @!p0 s3, s7;
	s7 =	simm.s32 @!p0 $0x108  }
0x21: {  	s3 =	sadd.s32 s3, s9;
	s6 =	sadd.s32 @!p0 $0x88, s6;
	s7 =	simm.s32 @p2 $0x1082  }
0x22: {  	[simem:s7], [sflag:s8] =	dma.local @!p0 [hbm:s6], $0xF7A  }
0x23: {  	s9 =	sor.u32 $0xD0000000, s2;
	s6 =	simm.s32 $0x108;
	_ =	swait.ge @!p0 [sflag:s8], $0x0  }
0x24: {  	s3 =	sadd.s32 $0x88, s3;
	s6 =	simm.s32 @!p1 $0x1082;
	[sflag:s4] =	ssyncset.s32 $0xFFFFF086  }
0x25: {  	[simem:s6], [sflag:s4] =	dma.local [hbm:s3], $0xF7A  }
0x26: {  	[smem:$0x3F9B] =	sst s1;
	(tag) =	ssettag s2;
	_ =	strace s9  }
0x27: {  	s1 =	sld [smem:$0x3FAB]  }
0x28: {  	s2 =	sld [smem:$0x3FAC]  }
0x29: {  	s4 =	sld [smem:$0x3FAE]  }
0x2a: {  	p0 =	seq.s32 s5, $0x0;
	s5 =	sld [smem:$0x3FAF]  }
0x2b: {  	s6 =	sld [smem:$0x3FB0]  }
0x2c: {  	s7 =	sld [smem:$0x3FB1]  }
0x2d: {  	s3 =	simm.s32 $0x108;
	s8 =	sld [smem:$0x3FB2]  }
0x2e: {  	s3 =	simm.s32 @!p0 $0x1082;
	s9 =	sld [smem:$0x3FB3]  }
0x2f: {  	lr =	sadd.s32 s0, s3;
	s0 =	sld [smem:$0x3FAA]  }
0x30: {  	s3 =	sld [smem:$0x3FAD]  }
0x31: {  	[smem:$0x3FB6] =	sst s10  }
0x32: {  	s10 =	sld [smem:$0x3FB4];
	_ =	sdelay $0x3  }
0x33: {  	p0 =	seq.s32 s10, $0x1;
	s10 =	sld [smem:$0x3FB6];
	_ =	sdelay $0x3  }
0x34: {  	[smem:$0x3FB6] =	sst s10  }
0x35: {  	s10 =	sld [smem:$0x3FB5];
	_ =	sdelay $0x3  }
0x36: {  	p1 =	seq.s32 s10, $0x1;
	s10 =	sld [smem:$0x3FB6];
	_ =	sdelay $0x3  }
0x37: {  	[smem:$0x3FB6] =	sst s10  }
0x38: {  	s10 =	sld [smem:$0x3FB7]  }
0x39: {  	_ = 	snop;
	(pc) =	sbr.ind lr, $3  }
0x3a: {  	_ = 	snop  }
0x3b: {  	_ = 	snop  }
0x3c: {  	p2 =	seq.s32 s10, $0x1;
	s10 =	sld [smem:$0x3FB6]  }
0x3d: {  	_ =	shalt  }
0x3e: {  	_ =	shalt  }
0x3f: {  	_ =	shalt  }
0x40: {  	_ =	shalt  }
0x41: {  	_ =	shalt  }
0x42: {  	_ =	shalt  }
0x43: {  	_ =	shalt  }
0x44: {  	_ =	shalt  }
0x45: {  	_ =	shalt  }
0x46: {  	_ =	shalt  }
0x47: {  	_ =	shalt  }
0x48: {  	_ =	shalt  }
0x49: {  	_ =	shalt  }
0x4a: {  	_ =	shalt  }
0x4b: {  	_ =	shalt  }
0x4c: {  	_ =	shalt  }
0x4d: {  	_ =	shalt  }
0x4e: {  	_ =	shalt  }
0x4f: {  	_ =	shalt  }
0x50: {  	_ =	shalt  }
0x51: {  	_ =	shalt  }
0x52: {  	_ =	shalt  }
0x53: {  	_ =	shalt  }
0x54: {  	_ =	shalt  }
0x55: {  	_ =	shalt  }
0x56: {  	_ =	shalt  }
0x57: {  	_ =	shalt  }
0x58: {  	_ =	shalt  }
0x59: {  	_ =	shalt  }
0x5a: {  	_ =	shalt  }
0x5b: {  	_ =	shalt  }
0x5c: {  	_ =	shalt  }
0x5d: {  	_ =	shalt  }
0x5e: {  	_ =	shalt  }
0x5f: {  	_ =	shalt  }
0x60: {  	_ =	shalt  }
0x61: {  	_ =	shalt  }
0x62: {  	_ =	shalt  }
0x63: {  	_ =	shalt  }
0x64: {  	_ =	shalt  }
0x65: {  	_ =	shalt  }
0x66: {  	_ =	shalt  }
0x67: {  	_ =	shalt  }
0x68: {  	_ =	shalt  }
0x69: {  	_ =	shalt  }
0x6a: {  	_ =	shalt  }
0x6b: {  	_ =	shalt  }
0x6c: {  	_ =	shalt  }
0x6d: {  	_ =	shalt  }
0x6e: {  	_ =	shalt  }
0x6f: {  	_ =	shalt  }
0x70: {  	_ =	shalt  }
0x71: {  	_ =	shalt  }
0x72: {  	_ =	shalt  }
0x73: {  	_ =	shalt  }
0x74: {  	_ =	shalt  }
0x75: {  	_ =	shalt  }
0x76: {  	_ =	shalt  }
0x77: {  	_ =	shalt  }
0x78: {  	_ =	shalt  }
0x79: {  	_ =	shalt  }
0x7a: {  	_ =	shalt  }
0x7b: {  	_ =	shalt  }
0x7c: {  	_ =	shalt  }
0x7d: {  	_ =	shalt  }
0x7e: {  	_ =	shalt  }
0x7f: {  	_ =	shalt  }
0x80: {  	_ =	shalt  }
0x81: {  	_ =	shalt  }
0x82: {  	_ =	shalt  }
0x83: {  	_ =	shalt  }
0x84: {  	_ =	shalt  }
0x85: {  	_ =	shalt  }
0x86: {  	_ =	shalt  }
0x87: {  	_ =	shalt  }
.Lfunc_end0:
.L_simem_size_0:
called_computation_lowered:
.L_overlay_start_0:
0x88: {  	s2 =	sld [smem:$0x3FD9]  }
0x89: {  	s3 =	sld [smem:$0x3FFE];
	_ =	sdelay $0x1  }
0x8a: {  	s1 =	srdreg.scid  }
0x8b: {  	s0 =	sand.u32 $0x1, s1  }
0x8c: {  	s17 =	sshll.u32 s0, $0xA;
	s2 =	sadd.s32 s3, s2  }
0x8d: {  	s2 =	sadd.s32 s2, s17  }
0x8e: {  	[smem:$0x3FC2] =	sst s2  }
0x8f: {  	_ = 	snop  }
0x90: {  	s2 =	sld [smem:$0x3FC9]  }
0x91: {  	s18 =	sld [smem:$0x3FC8]  }
0x92: {  	s4 =	sld [smem:$0x3FC7]  }
0x93: {  	s5 =	sld [smem:$0x3FC6]  }
0x94: {  	s6 =	sld [smem:$0x3FD0];
	(tm) =	ssettm $0x1  }
0x95: {  	s7 =	sld [smem:$0x3FFB];
	_ =	sdelay $0x3  }
0x96: {  	_ =	strace s7  }
0x97: {  	s7 =	sld [smem:$0x3FFC];
	_ =	sdelay $0x3  }
0x98: {  	_ =	strace s7  }
0x99: {  	s7 =	sld [smem:$0x3FFD];
	_ =	sdelay $0x3  }
0x9a: {  	_ =	strace s7  }
0x9b: {  	_ =	strace $0x8FFFFFFF  }
0x9c: {  	s19 =	sld [smem:$0x3FDB];
	_ =	sdelay $0x1  }
0x9d: {  	s8 =	simm.s32 $_scs_section_size  }
0x9e: {  	s9 =	simm.s32 $_size__tile_overlayer_lowered;
	s10 =	simm.s32 $_tile_overlayer_lowered  }
0x9f: {  	s22 =	simm.s32 $0x1BFF;
	s21 =	sshll.u32 s10, $0x1;
	s7 =	sadd.s32 s8, s19  }
0xa0: {  	s11 =	simm.s32 $0x0;
	s20 =	sshll.u32 s9, $0x1;
	s9 =	sadd.s32 s21, s7  }
0xa1: {  	[timem:s11], [sflag:s22] =	dma.local [hbm:s9], s20  }
0xa2: {  	_ =	swait.ge [sflag:s22], s20  }
0xa3: {  	s8 =	ssub.s32 $0x0, s20;
	[sflag:s22] =	ssyncset.done $0x0  }
0xa4: {  	[sflag:s22] =	ssyncadd.s32 s8;
	_ =	sdelay $0x1  }
0xa5: {  	s23 =	simm.s32 $0x1B8B  }
0xa6: {  	_ =	swait.ge [sflag:s23], $0x1  }
0xa7: {  	[sflag:s23] =	ssyncset.done $0x0  }
0xa8: {  	s25 =	simm.s32 $0x1B8E;
	s24 =	sld [smem:$0x3FFE];
	[sflag:s23] =	ssyncadd.s32 $0xFFFFFFFF  }
0xa9: {  	s26 =	simm.s32 $execute0_lowered;
	[smem:$0x3FD2] =	sst s25  }
0xaa: {  	s9 =	sshll.u32 s26, $0x1;
	_ =	strace $0x80000046;
	[dreg:$0x1] =	wrdreg $0xFFFFFFFF  }
0xab: {  	s28 =	simm.s32 $_size_execute0_lowered;
	s7 =	sadd.s32 s7, s9;
	[dreg:$0x0] =	wrdreg $0x0  }
0xac: {  	s9 =	sshll.u32 s28, $0x1;
	[dreg:$0x2] =	wrdreg s7  }
0xad: {  	[dreg:$0x3] =	wrdreg s9  }
0xae: {  	[dreg:$0x4] =	wrdreg $0xC0  }
0xaf: {  	_ =	task [dreg:s11], $0x5FFFF  }
0xb0: {  	[dreg:$0x1] =	wrdreg $0xFFFFFFFF  }
0xb1: {  	[dreg:$0x0] =	wrdreg $0x60  }
0xb2: {  	[dreg:$0x2] =	wrdreg s2  }
0xb3: {  	[dreg:$0x3] =	wrdreg s18  }
0xb4: {  	[dreg:$0x4] =	wrdreg s4  }
0xb5: {  	[dreg:$0x5] =	wrdreg s5  }
0xb6: {  	[dreg:$0x6] =	wrdreg s6  }
0xb7: {  	[dreg:$0x7] =	wrdreg s24  }
0xb8: {  	[dreg:$0x8] =	wrdreg $0x9  }
0xb9: {  	_ =	task.clear_ibuf [dreg:s11], $0x9FFFF;
	_ =	strace $0x90000046  }
0xba: {  	s29 =	simm.s32 $0x9;
	_ =	strace $0x80000048  }
0xbb: {  	_ =	swait.ge [sflag:s29], $0x1  }
0xbc: {  	[sflag:s29] =	ssyncadd.s32 $0xFFFFFFFF  }
0xbd: {  	_ =	strace $0x90000048  }
0xbe: {  	_ =	sfence  }
0xbf: {  	s30 =	sld [smem:$0x0];
	_ =	sdelay $0x2  }
0xc0: {  	s31 =	sshll.u32 s1, $0xD;
	s1 =	sshrl.u32 s1, $0x2  }
0xc1: {  	s3 =	sand.u32 $0x4000, s31;
	s1 =	sadd.s32 s1, s30  }
0xc2: {  	s0 =	sor.u32 s3, s0;
	s1 =	sshll.u32 s1, $0x11  }
0xc3: {  	s0 =	sor.u32 s1, s0  }
0xc4: {  	s0 =	sadd.s32 $0x8F2B, s0  }
0xc5: {  	[sflag:s0] =	ssyncadd.remote.s32 $0x1  }
0xc6: {  	_ =	sfence.sel $0xFFFF  }
0xc7: {  	[dreg:$0x0] =	wrdreg $0xFFFFFFFF;
	(pc) =	sbr.abs _section_cstart, $3  }
0xc8: {  	[dreg:$0x1] =	wrdreg $0xFFFFFFFF  }
0xc9: {  	_ =	task.clear_ibuf [dreg:s11], $0x2FFFF;
	_ =	strace $0x9FFFFFFF  }
0xca: {  	(tm) =	ssettm $0x7FFFFFFF  }
0xcb: {  	_ =	shalt  }
tec
execute0_lowered:
.L_overlay_start_1:
0x0: {  	(tag) =	ssettag $0x1  }
0x1: {  	s5 =	rddreg [dreg:$0x0]  }
0x2: {  	s6 =	rddreg [dreg:$0x1]  }
0x3: {  	s7 =	rddreg [dreg:$0x2]  }
0x4: {  	s8 =	rddreg [dreg:$0x3]  }
0x5: {  	s1 =	rddreg [dreg:$0x4]  }
0x6: {  	s9 =	rddreg [dreg:$0x5]  }
0x7: {  	s0 =	rddreg [dreg:$0x6];
	s3 =	simm.s32 $0x0;
	s4 =	srdreg.scid  }
0x8: {  	s2 =	stileid.u32;
	s14 =	simm.s32 $0x80;
	s15 =	simm.s32 $0x180  }
0x9: {  	s16 =	simm.s32 $0x1;
	s17 =	simm.s32 $0x2;
	s18 =	simm.s32 $0x200  }
0xa: {  	s19 =	simm.s32 $0x4200;
	s20 =	simm.s32 $0x0;
	s10 =	sand.u32 $0x1, s4  }
0xb: {  	[smem:$0x7FF] =	sst s3;
	s11 =	sshll.u32 s2, $0x8;
	s12 =	sshll.u32 s10, $0x7  }
0xc: {  	s4 =	sadd.s32 $0xE00, s9;
	s10 =	ssub.s32 $0x2, s10;
	s11 =	sor.u32 s12, s11  }
0xd: {  	_ =	strace $0x80000047;
	s13 =	sshrl.u32 s10, $0x1;
	s12 =	sshll.u32 s11, $0x4  }
0xe: {  	s11 =	sshrl.u32 s11, $0x3;
	s13 =	ssub.s32 s10, s13;
	s12 =	sadd.s32 s12, s9  }
0xf: {  	s5 =	sadd.s32 s5, s11;
	s6 =	sadd.s32 s6, s11;
	s7 =	sadd.s32 s7, s11  }
0x10: {  	s8 =	sadd.s32 s8, s11;
	s11 =	smax.u32 s13, $0x1;
	s13 =	simm.s32 $0x100  }
0x11: {  	v0 =	vlaneseq.u32;
	s9 =	sadd.s32 $0x187800, s12;
	s10 =	sadd.s32 $0x197800, s12;
	s12 =	simm.s32 $0x3  }
.LBB2_1:
0x12: {  	[tilespmem:s3], [sflag:$0x3] =	stream.linear.gather [hbm4b:s5+s3], $0x80, $0x38;
	[tilespmem:$0x8200] =	vst v63  }
0x13: {  	_ =	swait.ge [sflag:s12], $0x80  }
0x14: {  	[sflag:s12] =	ssyncset.done $0x0  }
0x15: {  	[sflag:s12] =	ssyncadd.s32 $0xFFFFFF80  }
0x16: {  	[tilespmem:s13], [sflag:$0x3] =	stream.linear.gather [hbm4b:s6+s3], $0x80, $0x38;
	[tilespmem:$0x8200] =	vst v63  }
0x17: {  	_ =	swait.ge [sflag:s12], $0x80  }
0x18: {  	[sflag:s12] =	ssyncset.done $0x0  }
0x19: {  	[sflag:s12] =	ssyncadd.s32 $0xFFFFFF80  }
0x1a: {  	[tilespmem:s14], [sflag:$0x3] =	stream.linear.gather [hbm4b:s7+s3], $0x80, $0x38;
	[tilespmem:$0x8200] =	vst v63  }
0x1b: {  	_ =	swait.ge [sflag:s12], $0x80  }
0x1c: {  	[sflag:s12] =	ssyncset.done $0x0  }
0x1d: {  	[sflag:s12] =	ssyncadd.s32 $0xFFFFFF80  }
0x1e: {  	[tilespmem:s15], [sflag:$0x3] =	stream.linear.gather [hbm4b:s8+s3], $0x80, $0x38;
	[tilespmem:$0x8200] =	vst v63  }
0x1f: {  	_ =	swait.ge [sflag:s12], $0x80  }
0x20: {  	[sflag:s12] =	ssyncset.done $0x0  }
0x21: {  	[sflag:s12] =	ssyncadd.s32 $0xFFFFFF80  }
0x22: {  	v1 =	vld [tilespmem:$0x0]  }
0x23: {  	v2 =	vld [tilespmem:$0x100]  }
0x24: {  	v3 =	vld [tilespmem:$0x80]  }
0x25: {  	v4 =	vld [tilespmem:$0x180]  }
0x26: {  	v5 =	vld [tilespmem:$0x10]  }
0x27: {  	v6 =	vld [tilespmem:$0x110]  }
0x28: {  	v7 =	vld [tilespmem:$0x90]  }
0x29: {  	v8 =	vld [tilespmem:$0x190]  }
0x2a: {  	v9 =	vld [tilespmem:$0x20]  }
0x2b: {  	v26 =	vld [tilespmem:$0x120]  }
0x2c: {  	v28 =	vld [tilespmem:$0xA0]  }
0x2d: {  	v10 =	vld [tilespmem:$0x1A0]  }
0x2e: {  	v31 =	vld [tilespmem:$0x30]  }
0x2f: {  	v11 =	vld [tilespmem:$0x130]  }
0x30: {  	v12 =	vld [tilespmem:$0xB0]  }
0x31: {  	v32 =	vld [tilespmem:$0x1B0]  }
0x32: {  	v34 =	vld [tilespmem:$0x40]  }
0x33: {  	v13 =	vld [tilespmem:$0x140];
	vm0 =	vgt.s32 v1, $0x0;
	vm9 =	vgt.s32 v2, $0x0  }
0x34: {  	v37 =	vld [tilespmem:$0xC0];
	vm1 =	vgt.s32 v3, $0x0;
	vm10 =	vgt.s32 v4, $0x0;
	vm11 =	vgt.s32 v5, $0x0  }
0x35: {  	v14 =	vld [tilespmem:$0x1C0];
	vm12 =	vgt.s32 v6, $0x0;
	vm13 =	vgt.s32 v7, $0x0;
	vm14 =	vgt.s32 v8, $0x0  }
0x36: {  	v15 =	vld [tilespmem:$0x50];
	vm15 =	vgt.s32 v9, $0x0;
	vm4 =	vgt.s32 v26, $0x0;
	vm5 =	vgt.s32 v28, $0x0  }
0x37: {  	v41 =	vld [tilespmem:$0xD0];
	vm6 =	vgt.s32 v10, $0x0;
	vm7 =	vgt.s32 v31, $0x0;
	vm8 =	vgt.s32 v11, $0x0  }
0x38: {  	v16 =	vld [tilespmem:$0x1D0];
	v1 =	vnsel vm0, $0x0, v1;
	v2 =	vnsel vm9, $0x0, v2;
	v3 =	vnsel vm1, $0x0, v3  }
0x39: {  	v44 =	vld [tilespmem:$0x60];
	v4 =	vnsel vm10, $0x0, v4;
	v25 =	vnsel vm11, $0x0, v5;
	v27 =	vnsel vm12, $0x0, v6  }
0x3a: {  	v17 =	vld [tilespmem:$0x160];
	v7 =	vnsel vm13, $0x0, v7;
	v8 =	vnsel vm14, $0x0, v8;
	v30 =	vnsel vm15, $0x0, v9  }
0x3b: {  	v6 =	vnsel vm5, $0x0, v28;
	v33 =	vnsel vm6, $0x0, v10;
	v9 =	vnsel vm7, $0x0, v31  }
0x3c: {  	v11 =	vnsel vm8, $0x0, v11;
	vm9 =	vgt.s32 v12, $0x0;
	vm10 =	vgt.s32 v32, $0x0  }
0x3d: {  	vm11 =	vgt.s32 v34, $0x0;
	vm12 =	vgt.s32 v13, $0x0;
	vm13 =	vgt.s32 v37, $0x0  }
0x3e: {  	v18 =	vld [tilespmem:$0xE0];
	vm14 =	vgt.s32 v14, $0x0;
	vm15 =	vgt.s32 v15, $0x0;
	vm5 =	vgt.s32 v41, $0x0  }
0x3f: {  	v49 =	vld [tilespmem:$0x70];
	vm6 =	vgt.s32 v16, $0x0;
	vm7 =	vgt.s32 v44, $0x0;
	vm8 =	vgt.s32 v17, $0x0  }
0x40: {  	v54 =	vld [tilespmem:$0xF0];
	v1 =	vmin.u32 v1, $0x3E7;
	v2 =	vmin.u32 v2, $0x63;
	v3 =	vmin.u32 v3, $0x3E7  }
0x41: {  	v56 =	vld [tilespmem:$0x170];
	v5 =	vmin.u32 v27, $0x63;
	v7 =	vmin.u32 v7, $0x3E7;
	v8 =	vmin.u32 v8, $0x63  }
0x42: {  	v58 =	vld [tilespmem:$0x1F0];
	v6 =	vmin.u32 v6, $0x3E7;
	v9 =	vmin.u32 v9, $0x3E7;
	v36 =	vnsel vm9, $0x0, v12  }
0x43: {  	v11 =	vmin.u32 v11, $0x63;
	v10 =	vnsel vm11, $0x0, v34;
	v40 =	vnsel vm12, $0x0, v13  }
0x44: {  	v12 =	vnsel vm13, $0x0, v37;
	v14 =	vnsel vm14, $0x0, v14;
	v43 =	vnsel vm15, $0x0, v15  }
0x45: {  	v45 =	vnsel vm5, $0x0, v41;
	v48 =	vnsel vm6, $0x0, v16;
	v51 =	vnsel vm7, $0x0, v44  }
0x46: {  	v53 =	vnsel vm8, $0x0, v17;
	vm9 =	vgt.s32 v18, $0x0;
	vm11 =	vgt.s32 v49, $0x0  }
0x47: {  	vm12 =	vgt.s32 v54, $0x0;
	vm13 =	vgt.s32 v56, $0x0;
	vm14 =	vgt.s32 v58, $0x0  }
0x48: {  	v1 =	vmul.u32 $0x64, v1;
	v3 =	vmul.u32 $0x64, v3;
	v29 =	vmul.u32 $0x64, v7  }
0x49: {  	v7 =	vmin.u32 v30, $0x3E7;
	v6 =	vmul.u32 $0x64, v6;
	v35 =	vmul.u32 $0x64, v9  }
0x4a: {  	v39 =	vld [tilespmem:$0x150];
	v9 =	vmin.u32 v36, $0x3E7;
	v38 =	vmin.u32 v10, $0x3E7;
	v12 =	vmin.u32 v12, $0x3E7  }
0x4b: {  	v14 =	vmin.u32 v14, $0x63;
	v46 =	vmin.u32 v45, $0x3E7;
	v50 =	vmin.u32 v48, $0x63  }
0x4c: {  	v52 =	vmin.u32 v51, $0x3E7;
	v55 =	vnsel vm9, $0x0, v18;
	v57 =	vmin.u32 v53, $0x63  }
0x4d: {  	v60 =	vnsel vm11, $0x0, v49;
	v62 =	vnsel vm12, $0x0, v54;
	v7 =	vmul.u32 $0x64, v7  }
0x4e: {  	v42 =	vmul.u32 $0x64, v12;
	v12 =	vmin.u32 v43, $0x3E7;
	v1 =	vadd.s32 v2, v1  }
0x4f: {  	v47 =	vld [tilespmem:$0x1E0];
	v2 =	vmin.u32 v4, $0x63;
	v4 =	vnsel vm4, $0x0, v26;
	vm4 =	vgt.s32 v39, $0x0  }
0x50: {  	v12 =	vmul.u32 $0x64, v12;
	v2 =	vadd.s32 v2, v3;
	v3 =	vmin.u32 v25, $0x3E7;
	[tilespmem:$0x0] =	vst v1  }
0x51: {  	v4 =	vmin.u32 v4, $0x63;
	v10 =	vnsel vm4, $0x0, v39;
	v1 =	vadd.s32 v14, v42;
	[tilespmem:$0x80] =	vst v2  }
0x52: {  	v3 =	vmul.u32 $0x64, v3;
	v4 =	vadd.s32 v4, v7;
	v10 =	vmin.u32 v10, $0x63;
	[tilespmem:$0xC0] =	vst v1  }
0x53: {  	v9 =	vmul.u32 $0x64, v9;
	v61 =	vmin.u32 v60, $0x3E7;
	v2 =	vadd.s32 v10, v12;
	[tilespmem:$0x20] =	vst v4  }
0x54: {  	v7 =	vnsel vm10, $0x0, v32;
	vm10 =	vgt.s32 v47, $0x0;
	v3 =	vadd.s32 v5, v3;
	[tilespmem:$0x50] =	vst v2  }
0x55: {  	v7 =	vmin.u32 v7, $0x63;
	v4 =	vmul.u32 $0x64, v52;
	v5 =	vadd.s32 v8, v29;
	[tilespmem:$0x10] =	vst v3  }
0x56: {  	v59 =	vnsel vm10, $0x0, v47;
	v8 =	vmin.u32 v33, $0x63;
	v7 =	vadd.s32 v7, v9;
	[tilespmem:$0x90] =	vst v5  }
0x57: {  	v9 =	vmul.u32 $0x64, v38;
	v2 =	vmul.u32 $0x64, v61;
	v6 =	vadd.s32 v8, v6;
	[tilespmem:$0xB0] =	vst v7  }
0x58: {  	v8 =	vadd.s32 v11, v35;
	v3 =	vmul.u32 $0x64, v46;
	v5 =	vmin.u32 v55, $0x3E7;
	[tilespmem:$0xA0] =	vst v6  }
0x59: {  	v11 =	vmin.u32 v40, $0x63;
	v4 =	vadd.s32 v57, v4;
	[tilespmem:$0x30] =	vst v8;
	v5 =	vmul.u32 $0x64, v5  }
0x5a: {  	v7 =	vmin.u32 v59, $0x63;
	v9 =	vadd.s32 v11, v9;
	[tilespmem:$0x60] =	vst v4;
	v3 =	vadd.s32 v50, v3  }
0x5b: {  	v1 =	vadd.s32 v7, v5;
	[tilespmem:$0xD0] =	vst v3;
	v3 =	vnsel vm13, $0x0, v56;
	v5 =	vmin.u32 v62, $0x3E7  }
0x5c: {  	v63 =	vnsel vm14, $0x0, v58;
	[tilespmem:$0x40] =	vst v9;
	v3 =	vmin.u32 v3, $0x63;
	v5 =	vmul.u32 $0x64, v5  }
0x5d: {  	[tilespmem:$0xE0] =	vst v1;
	v1 =	vadd.s32 v3, v2;
	v2 =	vmin.u32 v63, $0x63  }
0x5e: {  	[tilespmem:$0x70] =	vst v1;
	v1 =	vadd.s32 v2, v5  }
0x5f: {  	s21 =	sand.u32 $0x70, s3;
	[tilespmem:$0xF0] =	vst v1  }
0x60: {  	v1 =	vld [tilespmem:s21+$0x0]  }
0x61: {  	v2 =	vld [tilespmem:s21+$0x80]  }
0x62: {  	s29 =	sand.u32 $0xF, s3  }
0x63: {  	v3 =	vmov s29  }
0x64: {  	vm15 =	veq.s32 v3, v0  }
0x65: {  	v1 =	vnsel vm15, $0x0, v1  }
0x66: {  	v2 =	vnsel vm15, $0x0, v2;
	(xrf0) =	vadd.scan.msk.s32 $0xffff, v1  }
0x67: {  	(xrf0) =	vadd.scan.msk.s32 $0xffff, v2;
	_ =	sdelay $0x4  }
0x68: {  	v1, _, _ =	vpop (xrf0)  }
0x69: {  	(v2sf) =	vpush v1, $0xF;
	v1, _, _ =	vpop (xrf0)  }
0x6a: {  	(v2sf) =	vpush v1, $0xF;
	_ =	sdelay $0xd  }
0x6b: {  	s30 =	spop (v2sf)  }
0x6c: {  	s21 =	sshll.u32 s30, $0x4;
	s22 =	spop (v2sf)  }
0x6d: {  	s21 =	sand.u32 $0x1FFFFFF0, s21;
	s22 =	sshll.u32 s22, $0x4  }
0x6e: {  	s23 =	simm.s32 $0x1;
	s21 =	sadd.s32 s1, s21;
	s22 =	sand.u32 $0x1FFFFFF0, s22  }
0x6f: {  	[tilespmem:s18], [sflag:$0x1] =	stream.linear.gather [hbm4b:s21+s3], $0x80, $0x38;
	[tilespmem:$0x8200] =	vst v63  }
0x70: {  	s25 =	sand.u32 $0x70, s23;
	s31 =	sadd.s32 s4, s22  }
0x71: {  	[tilespmem:s19], [sflag:$0x2] =	stream.linear.gather [hbm4b:s31+s3], $0x80, $0x38;
	[tilespmem:$0x8200] =	vst v63  }
0x72: {  	s24 =	simm.s32 $0x2;
	s22 =	simm.s32 $0x200;
	s21 =	simm.s32 $0x4200;
	v1 =	vld [tilespmem:s25+$0x0]  }
.LBB2_2:
0x73: {  	p0 =	sne.s32 s24, $0x7F;
	v2 =	vld [tilespmem:s25+$0x80]  }
0x74: {  	s25 =	sand.u32 $0xF, s23;
	s23 =	smov.u32 s24  }
0x75: {  	v3 =	vmov s25  }
0x76: {  	vm0 =	veq.s32 v3, v0  }
0x77: {  	v1 =	vnsel vm0, $0x0, v1  }
0x78: {  	v2 =	vnsel vm0, $0x0, v2;
	(xrf0) =	vadd.scan.msk.s32 $0xffff, v1  }
0x79: {  	(xrf0) =	vadd.scan.msk.s32 $0xffff, v2;
	_ =	sdelay $0x4  }
0x7a: {  	v1, _, _ =	vpop (xrf0)  }
0x7b: {  	(v2sf) =	vpush v1, $0xF;
	v1, _, _ =	vpop (xrf0)  }
0x7c: {  	(v2sf) =	vpush v1, $0xF;
	_ =	sdelay $0xd  }
0x7d: {  	s25 =	spop (v2sf)  }
0x7e: {  	s25 =	sshll.u32 s25, $0x4;
	s26 =	spop (v2sf)  }
0x7f: {  	s22 =	sadd.s32 $0x80, s22;
	s25 =	sand.u32 $0x1FFFFFF0, s25;
	s26 =	sshll.u32 s26, $0x4  }
.Ltmp0:
0x80: {  	s25 =	sadd.s32 s1, s25;
	s26 =	sand.u32 $0x1FFFFFF0, s26;
	(pc) =	sbr.rel @p0 .LBB2_2-.Ltmp0, $4  }
0x81: {  	[tilespmem:s22], [sflag:$0x1] =	stream.linear.gather [hbm4b:s25+s3], $0x80, $0x38;
	[tilespmem:$0x8200] =	vst v63  }
0x82: {  	s21 =	sadd.s32 $0x80, s21;
	s25 =	sand.u32 $0x70, s24;
	s26 =	sadd.s32 s4, s26  }
0x83: {  	[tilespmem:s21], [sflag:$0x2] =	stream.linear.gather [hbm4b:s26+s3], $0x80, $0x38;
	[tilespmem:$0x8200] =	vst v63  }
0x84: {  	s24 =	sadd.s32 $0x1, s24;
	v1 =	vld [tilespmem:s25+$0x0]  }
0x85: {  	v2 =	vld [tilespmem:s25+$0x80]  }
0x86: {  	s23 =	sand.u32 $0xF, s23  }
0x87: {  	v3 =	vmov s23  }
0x88: {  	vm0 =	veq.s32 v3, v0  }
0x89: {  	v1 =	vnsel vm0, $0x0, v1  }
0x8a: {  	v2 =	vnsel vm0, $0x0, v2;
	(xrf0) =	vadd.scan.msk.s32 $0xffff, v1  }
0x8b: {  	(xrf0) =	vadd.scan.msk.s32 $0xffff, v2;
	_ =	sdelay $0x4  }
0x8c: {  	v1, _, _ =	vpop (xrf0)  }
0x8d: {  	(v2sf) =	vpush v1, $0xF;
	v1, _, _ =	vpop (xrf0)  }
0x8e: {  	(v2sf) =	vpush v1, $0xF;
	_ =	sdelay $0xd  }
0x8f: {  	s30 =	spop (v2sf)  }
0x90: {  	s23 =	sshll.u32 s30, $0x4;
	s24 =	spop (v2sf)  }
0x91: {  	s23 =	sand.u32 $0x1FFFFFF0, s23;
	s24 =	sshll.u32 s24, $0x4  }
0x92: {  	s22 =	sadd.s32 $0x80, s22;
	s23 =	sadd.s32 s1, s23;
	s24 =	sand.u32 $0x1FFFFFF0, s24  }
0x93: {  	[tilespmem:s22], [sflag:$0x1] =	stream.linear.gather [hbm4b:s23+s3], $0x80, $0x38;
	[tilespmem:$0x8200] =	vst v63  }
0x94: {  	s21 =	sadd.s32 $0x80, s21;
	s31 =	sadd.s32 s4, s24  }
0x95: {  	[tilespmem:s21], [sflag:$0x2] =	stream.linear.gather [hbm4b:s31+s3], $0x80, $0x38;
	[tilespmem:$0x8200] =	vst v63  }
0x96: {  	_ =	swait.ge [sflag:s16], $0x4000  }
0x97: {  	[sflag:s16] =	ssyncset.done $0x0  }
0x98: {  	[sflag:s16] =	ssyncadd.s32 $0xFFFFC000  }
0x99: {  	_ =	swait.ge [sflag:s17], $0x4000  }
0x9a: {  	[sflag:s17] =	ssyncset.done $0x0  }
0x9b: {  	[sflag:s17] =	ssyncadd.s32 $0xFFFFC000  }
0x9c: {  	[hbm4b:s9+s3] =	stream.linear.scatter [tilespmem:s18], [sflag:$0x3], $0x4000, $0x38;
	[tilespmem:$0x8200] =	vst v63  }
0x9d: {  	s20 =	sadd.s32 $0x1, s20;
	_ =	swait.ge [sflag:s12], $0x4000  }
0x9e: {  	p0 =	sne.s32 s20, s11;
	[sflag:s12] =	ssyncset.done $0x0  }
.Ltmp1:
0x9f: {  	[sflag:s12] =	ssyncadd.s32 $0xFFFFC000;
	(pc) =	sbr.rel @p0 .LBB2_1-.Ltmp1, $4  }
0xa0: {  	[hbm4b:s10+s3] =	stream.linear.scatter [tilespmem:s19], [sflag:$0x3], $0x4000, $0x38;
	[tilespmem:$0x8200] =	vst v63  }
0xa1: {  	_ =	swait.ge [sflag:s12], $0x4000  }
0xa2: {  	[sflag:s12] =	ssyncset.done $0x0  }
0xa3: {  	[sflag:s12] =	ssyncadd.s32 $0xFFFFC000  }
0xa4: {  	_ =	sfence.sel $0x180000  }
0xa5: {  	[bflag:$0x0] =	sbarrier.arrive $0xFFFF  }
0xa6: {  	p0 =	sne.s32 s2, $0x0;
	_ =	strace $0x90000047  }
0xa7: {  	s0 =	sadd.s32 @!p0 $0x100000, s0;
	[bflag:$0x2] =	sbarrier.arrive $0xFFFF  }
0xa8: {  	[sflag:s0] =	ssyncadd.tile.s32 @!p0 $0x1;
	_ =	shalt  }
.Lfunc_end2:
_tile_overlayer_lowered:
.L_overlay_start_2:
0xa9: {  	(tag) =	ssettag $0x2  }
0xaa: {  	s0 =	rddreg [dreg:$0x0];
	s2 =	stileid.u32  }
0xab: {  	s1 =	rddreg [dreg:$0x1];
	p0 =	sne.s32 s2, $0x0  }
0xac: {  	s3 =	rddreg [dreg:$0x2];
	[bflag:$0x3] =	sbarrier.arrive $0xFFFF;
	s2 =	simm.s32 @!p0 $0x1C03  }
0xad: {  	[timem:s3], [sflag:s2] =	dma.local @!p0 [hbm:s0], s1  }
0xae: {  	s0 =	simm.s32 @!p0 $0x3  }
0xaf: {  	_ =	swait.ge @!p0 [sflag:s0], s1  }
0xb0: {  	s1 =	ssub.s32 @!p0 $0x0, s1;
	[sflag:s0] =	ssyncset.done @!p0 $0x0  }
0xb1: {  	[sflag:s0] =	ssyncadd.s32 @!p0 s1  }
0xb2: {  	[bflag:$0x3] =	sbarrier.arrive $0xFFFF  }
0xb3: {  	_ =	shalt  }

</sc_bundles>
